<compile_context>
chip_gen: v7x
topology: tpu7x:2x2x1
jax: 0.10.2.dev20260603
libtpu: 0.0.44.dev20260713+nightly
codegen_flags: <defaults>
</compile_context>

<pallas_src>
import functools

import jax
import jax.numpy as jnp
from jax import lax
from jax.experimental import pallas as pl
from jax.experimental.pallas import tpu as pltpu
from jax.experimental.pallas import tpu_sc as plsc

N_FACTORS = 64
BATCH = 16384
LANES = 16
BIAS_W = 8

_info = plsc.get_sparse_core_info()
NUM_CORES = _info.num_cores
NUM_SUBCORES = _info.num_subcores
NUM_WORKERS = NUM_CORES * NUM_SUBCORES
BPW = BATCH // NUM_WORKERS


def _sc_body(users, movies, uemb, memb, ubias, mbias, out,
             idx_u, idx_m, idx_u8, idx_m8, rows_u, rows_m, b_u, b_m, out_v,
             sem1, sem2, sem3, sem4):
    wid = lax.axis_index("s") * NUM_CORES + lax.axis_index("c")
    base = wid * BPW

    pltpu.sync_copy(users.at[pl.ds(base, BPW)], idx_u)
    pltpu.sync_copy(movies.at[pl.ds(base, BPW)], idx_m)

    cp1 = pltpu.async_copy(uemb.at[idx_u], rows_u, sem1)
    cp2 = pltpu.async_copy(memb.at[idx_m], rows_m, sem2)

    def shift_body(c, carry):
        off = c * LANES
        idx_u8[pl.ds(off, LANES)] = lax.shift_right_logical(
            idx_u[pl.ds(off, LANES)], 3)
        idx_m8[pl.ds(off, LANES)] = lax.shift_right_logical(
            idx_m[pl.ds(off, LANES)], 3)
        return carry

    lax.fori_loop(0, BPW // LANES, shift_body, 0)
    cp3 = pltpu.async_copy(ubias.at[idx_u8], b_u, sem3)
    cp4 = pltpu.async_copy(mbias.at[idx_m8], b_m, sem4)
    cp1.wait()
    cp2.wait()
    cp3.wait()
    cp4.wait()

    lane = lax.broadcasted_iota(jnp.int32, (LANES,), 0)

    def chunk_body(c, carry):
        off = c * LANES
        rvec = off + lane
        col_u = idx_u[pl.ds(off, LANES)] & (BIAS_W - 1)
        col_m = idx_m[pl.ds(off, LANES)] & (BIAS_W - 1)
        acc0 = (plsc.load_gather(b_u, [rvec, col_u]) +
                plsc.load_gather(b_m, [rvec, col_m]))
        accs = [acc0] + [jnp.zeros((LANES,), jnp.float32) for _ in range(3)]
        for f in range(N_FACTORS):
            col = lane ^ f
            uu = plsc.load_gather(rows_u, [rvec, col])
            mm = plsc.load_gather(rows_m, [rvec, col])
            accs[f % 4] = accs[f % 4] + uu * mm
        out_v[pl.ds(off, LANES)] = (accs[0] + accs[1]) + (accs[2] + accs[3])
        return carry

    lax.fori_loop(0, BPW // LANES, chunk_body, 0)
    pltpu.sync_copy(out_v, out.at[pl.ds(base, BPW)])


@jax.jit
def kernel(users, movies, user_embedding, movie_embedding, user_bias,
           movie_bias):
    users = users.astype(jnp.int32)
    movies = movies.astype(jnp.int32)
    ubias = jnp.reshape(user_bias, (-1, BIAS_W))
    mbias = jnp.reshape(movie_bias, (-1, BIAS_W))

    mesh = plsc.VectorSubcoreMesh(core_axis_name="c", subcore_axis_name="s")
    run = functools.partial(
        pl.kernel,
        out_type=jax.ShapeDtypeStruct((BATCH,), jnp.float32),
        mesh=mesh,
        compiler_params=pltpu.CompilerParams(
            needs_layout_passes=False, use_tc_tiling_on_sc=False),
        scratch_types=[
            pltpu.VMEM((BPW,), jnp.int32),
            pltpu.VMEM((BPW,), jnp.int32),
            pltpu.VMEM((BPW,), jnp.int32),
            pltpu.VMEM((BPW,), jnp.int32),
            pltpu.VMEM((BPW, N_FACTORS), jnp.float32),
            pltpu.VMEM((BPW, N_FACTORS), jnp.float32),
            pltpu.VMEM((BPW, BIAS_W), jnp.float32),
            pltpu.VMEM((BPW, BIAS_W), jnp.float32),
            pltpu.VMEM((BPW,), jnp.float32),
            pltpu.SemaphoreType.DMA,
            pltpu.SemaphoreType.DMA,
            pltpu.SemaphoreType.DMA,
            pltpu.SemaphoreType.DMA,
        ],
    )(_sc_body)
    return run(users, movies, user_embedding, movie_embedding, ubias, mbias)

# --- scband reference (transcript-rebuilt; emitter-appended) ---
"""Pipeline reference for scband-matrix-factorization-15479062135524 (READ-ONLY COPY).

The authoritative reference and input builder live on the scoring server;
editing this copy changes nothing except your own understanding.
"""

import jax, jax.numpy as jnp
import numpy as np

USER_DIM = 100000
MOVIE_DIM = 100000
N_FACTORS = 64
BATCH = 16384

def setup_inputs(seed: int = 0) -> dict:
    key = jax.random.key(seed)
    k1, k2, k3, k4, k5, k6 = jax.random.split(key, 6)
    users = jax.random.randint(k1, (BATCH,), 0, USER_DIM, dtype=jnp.int64) if jax.config.read('jax_enable_x64') else jax.random.randint(k1, (BATCH,), 0, USER_DIM, dtype=jnp.int32)
    movies = jax.random.randint(k2, (BATCH,), 0, MOVIE_DIM, dtype=users.dtype)
    user_embedding = jax.random.normal(k3, (USER_DIM, N_FACTORS), dtype=jnp.float32)
    movie_embedding = jax.random.normal(k4, (MOVIE_DIM, N_FACTORS), dtype=jnp.float32)
    user_bias = jax.random.normal(k5, (USER_DIM, 1), dtype=jnp.float32)
    movie_bias = jax.random.normal(k6, (MOVIE_DIM, 1), dtype=jnp.float32)
    return {"users": users, "movies": movies, "user_embedding": user_embedding, "movie_embedding": movie_embedding, "user_bias": user_bias, "movie_bias": movie_bias}

def reference(users, movies, user_embedding, movie_embedding, user_bias, movie_bias):
    u = jnp.take(user_embedding, users, axis=0)
    m = jnp.take(movie_embedding, movies, axis=0)
    rating = (u * m).sum(axis=1, keepdims=True)
    rating = rating + jnp.take(user_bias, users, axis=0)
    rating = rating + jnp.take(movie_bias, movies, axis=0)
    return jnp.squeeze(rating)

if __name__ == "__main__":
    import jax
    _d = setup_inputs()
    print(jax.jit(kernel)(*tuple(_d.values())))

</pallas_src>

<mosaic_0001>
#map = affine_map<(d0, d1) -> (0)>
#map1 = affine_map<(d0, d1) -> (0, 0)>
module attributes {stable_mosaic.version = 14 : i64} {
  func.func @_sc_body(%arg0: i32, %arg1: i32, %arg2: memref<16384xi32, #tpu.memory_space<hbm>>, %arg3: memref<16384xi32, #tpu.memory_space<hbm>>, %arg4: memref<100000x64xf32, #tpu.memory_space<hbm>>, %arg5: memref<100000x64xf32, #tpu.memory_space<hbm>>, %arg6: memref<12500x8xf32, #tpu.memory_space<hbm>>, %arg7: memref<12500x8xf32, #tpu.memory_space<hbm>>, %arg8: memref<16384xf32, #tpu.memory_space<hbm>>, %arg9: memref<512xi32, #tpu.memory_space<vmem>>, %arg10: memref<512xi32, #tpu.memory_space<vmem>>, %arg11: memref<512xi32, #tpu.memory_space<vmem>>, %arg12: memref<512xi32, #tpu.memory_space<vmem>>, %arg13: memref<512x64xf32, #tpu.memory_space<vmem>>, %arg14: memref<512x64xf32, #tpu.memory_space<vmem>>, %arg15: memref<512x8xf32, #tpu.memory_space<vmem>>, %arg16: memref<512x8xf32, #tpu.memory_space<vmem>>, %arg17: memref<512xf32, #tpu.memory_space<vmem>>, %arg18: memref<!tpu.dma_semaphore, #tpu.memory_space<semaphore_mem>>, %arg19: memref<!tpu.dma_semaphore, #tpu.memory_space<semaphore_mem>>, %arg20: memref<!tpu.dma_semaphore, #tpu.memory_space<semaphore_mem>>, %arg21: memref<!tpu.dma_semaphore, #tpu.memory_space<semaphore_mem>>) attributes {dimension_semantics = [#tpu.dimension_semantics<core_parallel>, #tpu.dimension_semantics<subcore_parallel>], iteration_bounds = array<i64: 2, 16>, scalar_prefetch = 0 : i64, scratch_operands = 13 : i64, tpu.core_type = #tpu.core_type<sc_vector_subcore>, window_params = [{transform_indices = #map}, {transform_indices = #map}, {transform_indices = #map1}, {transform_indices = #map1}, {transform_indices = #map1}, {transform_indices = #map1}, {transform_indices = #map}]} {
    %mul3A = arith.constant 2 : i32
    %mul3A_0 = arith.muli %arg1, %mul3A : i32
    %add3A = arith.addi %mul3A_0, %arg0 : i32
    %mul3A_1 = arith.constant 512 : i32
    %mul3A_2 = arith.muli %add3A, %mul3A_1 : i32
    "tpu.region"() ({
      %run_scoped3A = tpu.sem_alloc : memref<!tpu.dma_semaphore, #tpu.memory_space<semaphore_mem>>
      %dma_start3A_36 = tpu.memref_slice %arg2[%mul3A_2] : memref<16384xi32, #tpu.memory_space<hbm>> -> memref<512xi32, #tpu.memory_space<hbm>>
      %dma_start3A_37 = tpu.memref_slice %arg2[%mul3A_2] : memref<16384xi32, #tpu.memory_space<hbm>> -> memref<512xi32, #tpu.memory_space<hbm>>
      tpu.enqueue_dma source(%dma_start3A_37 : memref<512xi32, #tpu.memory_space<hbm>>) target(%arg9 : memref<512xi32, #tpu.memory_space<vmem>>) target_semaphore(%run_scoped3A : memref<!tpu.dma_semaphore, #tpu.memory_space<semaphore_mem>>)
      %dma_wait3A_38 = tpu.memref_slice %arg2[%mul3A_2] : memref<16384xi32, #tpu.memory_space<hbm>> -> memref<512xi32, #tpu.memory_space<hbm>>
      %dma_wait3A_39 = tpu.memref_slice %arg2[%mul3A_2] : memref<16384xi32, #tpu.memory_space<hbm>> -> memref<512xi32, #tpu.memory_space<hbm>>
      tpu.wait_dma2 semaphore(%run_scoped3A : memref<!tpu.dma_semaphore, #tpu.memory_space<semaphore_mem>>) src(%dma_wait3A_39 : memref<512xi32, #tpu.memory_space<hbm>>) dst(%arg9 : memref<512xi32, #tpu.memory_space<vmem>>)
      tpu.yield
    }) : () -> ()
    "tpu.region"() ({
      %run_scoped3A = tpu.sem_alloc : memref<!tpu.dma_semaphore, #tpu.memory_space<semaphore_mem>>
      %dma_start3A_36 = tpu.memref_slice %arg3[%mul3A_2] : memref<16384xi32, #tpu.memory_space<hbm>> -> memref<512xi32, #tpu.memory_space<hbm>>
      %dma_start3A_37 = tpu.memref_slice %arg3[%mul3A_2] : memref<16384xi32, #tpu.memory_space<hbm>> -> memref<512xi32, #tpu.memory_space<hbm>>
      tpu.enqueue_dma source(%dma_start3A_37 : memref<512xi32, #tpu.memory_space<hbm>>) target(%arg10 : memref<512xi32, #tpu.memory_space<vmem>>) target_semaphore(%run_scoped3A : memref<!tpu.dma_semaphore, #tpu.memory_space<semaphore_mem>>)
      %dma_wait3A_38 = tpu.memref_slice %arg3[%mul3A_2] : memref<16384xi32, #tpu.memory_space<hbm>> -> memref<512xi32, #tpu.memory_space<hbm>>
      %dma_wait3A_39 = tpu.memref_slice %arg3[%mul3A_2] : memref<16384xi32, #tpu.memory_space<hbm>> -> memref<512xi32, #tpu.memory_space<hbm>>
      tpu.wait_dma2 semaphore(%run_scoped3A : memref<!tpu.dma_semaphore, #tpu.memory_space<semaphore_mem>>) src(%dma_wait3A_39 : memref<512xi32, #tpu.memory_space<hbm>>) dst(%arg10 : memref<512xi32, #tpu.memory_space<vmem>>)
      tpu.yield
    }) : () -> ()
    %dma_start3A = arith.constant 0 : i32
    %dma_start3A_3 = arith.constant 0 : i32
    %dma_start3A_4 = tpu.memref_slice %arg4[%dma_start3A, %dma_start3A_3] : memref<100000x64xf32, #tpu.memory_space<hbm>> -> memref<100000x64xf32, #tpu.memory_space<hbm>>
    tpu.enqueue_indirect_dma source(%dma_start3A_4 : memref<100000x64xf32, #tpu.memory_space<hbm>>) target(%arg13 : memref<512x64xf32, #tpu.memory_space<vmem>>) offsets(%arg9 : memref<512xi32, #tpu.memory_space<vmem>>) semaphore(%arg18 : memref<!tpu.dma_semaphore, #tpu.memory_space<semaphore_mem>>)
    %dma_start3A_5 = arith.constant 0 : i32
    %dma_start3A_6 = arith.constant 0 : i32
    %dma_start3A_7 = tpu.memref_slice %arg5[%dma_start3A_5, %dma_start3A_6] : memref<100000x64xf32, #tpu.memory_space<hbm>> -> memref<100000x64xf32, #tpu.memory_space<hbm>>
    tpu.enqueue_indirect_dma source(%dma_start3A_7 : memref<100000x64xf32, #tpu.memory_space<hbm>>) target(%arg14 : memref<512x64xf32, #tpu.memory_space<vmem>>) offsets(%arg10 : memref<512xi32, #tpu.memory_space<vmem>>) semaphore(%arg19 : memref<!tpu.dma_semaphore, #tpu.memory_space<semaphore_mem>>)
    %scan3A = arith.constant 0 : i32
    %scan3A_8 = arith.constant 0 : i32
    %scan3A_9 = arith.constant 32 : i32
    %scan3A_10 = arith.addi %scan3A_8, %scan3A_9 : i32
    %scan3A_11 = arith.constant 1 : i32
    scf.for %scan3A_36 = %scan3A_8 to %scan3A_10 step %scan3A_11  : i32 {
      %mul3A_37 = arith.constant 16 : i32
      %mul3A_38 = arith.muli %scan3A_36, %mul3A_37 : i32
      %get3A = arith.index_cast %mul3A_38 : i32 to index
      %get3A_39 = tpu.vector_load %arg9[%get3A] {strides = array<i32>} : memref<512xi32, #tpu.memory_space<vmem>>, vector<16xi32>,
      %shift_right_logical3A = arith.constant 3 : i32
      %shift_right_logical3A_40 = vector.broadcast %shift_right_logical3A : i32 to vector<16xi32>
      %shift_right_logical3A_41 = arith.shrui %get3A_39, %shift_right_logical3A_40 : vector<16xi32>
      %swap3A = arith.index_cast %mul3A_38 : i32 to index
      %swap3A_42 = tpu.vector_load %arg11[%swap3A] {strides = array<i32>} : memref<512xi32, #tpu.memory_space<vmem>>, vector<16xi32>,
      tpu.vector_store %arg11[%swap3A], %shift_right_logical3A_41 {strides = array<i32>} : memref<512xi32, #tpu.memory_space<vmem>>, vector<16xi32>,
      %get3A_43 = arith.index_cast %mul3A_38 : i32 to index
      %get3A_44 = tpu.vector_load %arg10[%get3A_43] {strides = array<i32>} : memref<512xi32, #tpu.memory_space<vmem>>, vector<16xi32>,
      %shift_right_logical3A_45 = arith.constant 3 : i32
      %shift_right_logical3A_46 = vector.broadcast %shift_right_logical3A_45 : i32 to vector<16xi32>
      %shift_right_logical3A_47 = arith.shrui %get3A_44, %shift_right_logical3A_46 : vector<16xi32>
      %swap3A_48 = arith.index_cast %mul3A_38 : i32 to index
      %swap3A_49 = tpu.vector_load %arg12[%swap3A_48] {strides = array<i32>} : memref<512xi32, #tpu.memory_space<vmem>>, vector<16xi32>,
      tpu.vector_store %arg12[%swap3A_48], %shift_right_logical3A_47 {strides = array<i32>} : memref<512xi32, #tpu.memory_space<vmem>>, vector<16xi32>,
    }
    %scan3A_12 = arith.constant 32 : i32
    %dma_start3A_13 = arith.constant 0 : i32
    %dma_start3A_14 = arith.constant 0 : i32
    %dma_start3A_15 = tpu.memref_slice %arg6[%dma_start3A_13, %dma_start3A_14] : memref<12500x8xf32, #tpu.memory_space<hbm>> -> memref<12500x8xf32, #tpu.memory_space<hbm>>
    tpu.enqueue_indirect_dma source(%dma_start3A_15 : memref<12500x8xf32, #tpu.memory_space<hbm>>) target(%arg15 : memref<512x8xf32, #tpu.memory_space<vmem>>) offsets(%arg11 : memref<512xi32, #tpu.memory_space<vmem>>) semaphore(%arg20 : memref<!tpu.dma_semaphore, #tpu.memory_space<semaphore_mem>>)
    %dma_start3A_16 = arith.constant 0 : i32
    %dma_start3A_17 = arith.constant 0 : i32
    %dma_start3A_18 = tpu.memref_slice %arg7[%dma_start3A_16, %dma_start3A_17] : memref<12500x8xf32, #tpu.memory_space<hbm>> -> memref<12500x8xf32, #tpu.memory_space<hbm>>
    tpu.enqueue_indirect_dma source(%dma_start3A_18 : memref<12500x8xf32, #tpu.memory_space<hbm>>) target(%arg16 : memref<512x8xf32, #tpu.memory_space<vmem>>) offsets(%arg12 : memref<512xi32, #tpu.memory_space<vmem>>) semaphore(%arg21 : memref<!tpu.dma_semaphore, #tpu.memory_space<semaphore_mem>>)
    %dma_wait3A = arith.constant 0 : i32
    %dma_wait3A_19 = arith.constant 0 : i32
    %dma_wait3A_20 = tpu.memref_slice %arg4[%dma_wait3A, %dma_wait3A_19] : memref<100000x64xf32, #tpu.memory_space<hbm>> -> memref<100000x64xf32, #tpu.memory_space<hbm>>
    tpu.wait_indirect_dma semaphore(%arg18 : memref<!tpu.dma_semaphore, #tpu.memory_space<semaphore_mem>>) src(%dma_wait3A_20 : memref<100000x64xf32, #tpu.memory_space<hbm>>) dst(%arg13 : memref<512x64xf32, #tpu.memory_space<vmem>>)
    %dma_wait3A_21 = arith.constant 0 : i32
    %dma_wait3A_22 = arith.constant 0 : i32
    %dma_wait3A_23 = tpu.memref_slice %arg5[%dma_wait3A_21, %dma_wait3A_22] : memref<100000x64xf32, #tpu.memory_space<hbm>> -> memref<100000x64xf32, #tpu.memory_space<hbm>>
    tpu.wait_indirect_dma semaphore(%arg19 : memref<!tpu.dma_semaphore, #tpu.memory_space<semaphore_mem>>) src(%dma_wait3A_23 : memref<100000x64xf32, #tpu.memory_space<hbm>>) dst(%arg14 : memref<512x64xf32, #tpu.memory_space<vmem>>)
    %dma_wait3A_24 = arith.constant 0 : i32
    %dma_wait3A_25 = arith.constant 0 : i32
    %dma_wait3A_26 = tpu.memref_slice %arg6[%dma_wait3A_24, %dma_wait3A_25] : memref<12500x8xf32, #tpu.memory_space<hbm>> -> memref<12500x8xf32, #tpu.memory_space<hbm>>
    tpu.wait_indirect_dma semaphore(%arg20 : memref<!tpu.dma_semaphore, #tpu.memory_space<semaphore_mem>>) src(%dma_wait3A_26 : memref<12500x8xf32, #tpu.memory_space<hbm>>) dst(%arg15 : memref<512x8xf32, #tpu.memory_space<vmem>>)
    %dma_wait3A_27 = arith.constant 0 : i32
    %dma_wait3A_28 = arith.constant 0 : i32
    %dma_wait3A_29 = tpu.memref_slice %arg7[%dma_wait3A_27, %dma_wait3A_28] : memref<12500x8xf32, #tpu.memory_space<hbm>> -> memref<12500x8xf32, #tpu.memory_space<hbm>>
    tpu.wait_indirect_dma semaphore(%arg21 : memref<!tpu.dma_semaphore, #tpu.memory_space<semaphore_mem>>) src(%dma_wait3A_29 : memref<12500x8xf32, #tpu.memory_space<hbm>>) dst(%arg16 : memref<512x8xf32, #tpu.memory_space<vmem>>)
    %iota3A = tpu.iota {dimensions = array<i32: 0>} : vector<16xi32>
    %scan3A_30 = arith.constant 0 : i32
    %scan3A_31 = arith.constant 0 : i32
    %scan3A_32 = arith.constant 32 : i32
    %scan3A_33 = arith.addi %scan3A_31, %scan3A_32 : i32
    %scan3A_34 = arith.constant 1 : i32
    scf.for %scan3A_36 = %scan3A_31 to %scan3A_33 step %scan3A_34  : i32 {
      %mul3A_37 = arith.constant 16 : i32
      %mul3A_38 = arith.muli %scan3A_36, %mul3A_37 : i32
      %add3A_39 = vector.broadcast %mul3A_38 : i32 to vector<16xi32>
      %add3A_40 = arith.addi %add3A_39, %iota3A : vector<16xi32>
      %get3A = arith.index_cast %mul3A_38 : i32 to index
      %get3A_41 = tpu.vector_load %arg9[%get3A] {strides = array<i32>} : memref<512xi32, #tpu.memory_space<vmem>>, vector<16xi32>,
      %and3A = arith.constant 7 : i32
      %and3A_42 = vector.broadcast %and3A : i32 to vector<16xi32>
      %and3A_43 = arith.andi %get3A_41, %and3A_42 : vector<16xi32>
      %get3A_44 = arith.index_cast %mul3A_38 : i32 to index
      %get3A_45 = tpu.vector_load %arg10[%get3A_44] {strides = array<i32>} : memref<512xi32, #tpu.memory_space<vmem>>, vector<16xi32>,
      %and3A_46 = arith.constant 7 : i32
      %and3A_47 = vector.broadcast %and3A_46 : i32 to vector<16xi32>
      %and3A_48 = arith.andi %get3A_45, %and3A_47 : vector<16xi32>
      %gather3A = tpu.vector_load_idx %arg15[%add3A_40, %and3A_43] : memref<512x8xf32, #tpu.memory_space<vmem>>[vector<16xi32>, vector<16xi32>], vector<16xf32>,
      %gather3A_49 = tpu.vector_load_idx %arg16[%add3A_40, %and3A_48] : memref<512x8xf32, #tpu.memory_space<vmem>>[vector<16xi32>, vector<16xi32>], vector<16xf32>,
      %add3A_50 = arith.addf %gather3A, %gather3A_49 : vector<16xf32>
      %broadcast_in_dim3A = arith.constant 0.000000e+00 : f32
      %broadcast_in_dim3A_51 = vector.broadcast %broadcast_in_dim3A : f32 to vector<16xf32>
      %broadcast_in_dim3A_52 = arith.constant 0.000000e+00 : f32
      %broadcast_in_dim3A_53 = vector.broadcast %broadcast_in_dim3A_52 : f32 to vector<16xf32>
      %broadcast_in_dim3A_54 = arith.constant 0.000000e+00 : f32
      %broadcast_in_dim3A_55 = vector.broadcast %broadcast_in_dim3A_54 : f32 to vector<16xf32>
      %xor3A = arith.constant 0 : i32
      %xor3A_56 = vector.broadcast %xor3A : i32 to vector<16xi32>
      %xor3A_57 = arith.xori %iota3A, %xor3A_56 : vector<16xi32>
      %gather3A_58 = tpu.vector_load_idx %arg13[%add3A_40, %xor3A_57] : memref<512x64xf32, #tpu.memory_space<vmem>>[vector<16xi32>, vector<16xi32>], vector<16xf32>,
      %gather3A_59 = tpu.vector_load_idx %arg14[%add3A_40, %xor3A_57] : memref<512x64xf32, #tpu.memory_space<vmem>>[vector<16xi32>, vector<16xi32>], vector<16xf32>,
      %mul3A_60 = arith.mulf %gather3A_58, %gather3A_59 : vector<16xf32>
      %add3A_61 = arith.addf %add3A_50, %mul3A_60 : vector<16xf32>
      %xor3A_62 = arith.constant 1 : i32
      %xor3A_63 = vector.broadcast %xor3A_62 : i32 to vector<16xi32>
      %xor3A_64 = arith.xori %iota3A, %xor3A_63 : vector<16xi32>
      %gather3A_65 = tpu.vector_load_idx %arg13[%add3A_40, %xor3A_64] : memref<512x64xf32, #tpu.memory_space<vmem>>[vector<16xi32>, vector<16xi32>], vector<16xf32>,
      %gather3A_66 = tpu.vector_load_idx %arg14[%add3A_40, %xor3A_64] : memref<512x64xf32, #tpu.memory_space<vmem>>[vector<16xi32>, vector<16xi32>], vector<16xf32>,
      %mul3A_67 = arith.mulf %gather3A_65, %gather3A_66 : vector<16xf32>
      %add3A_68 = arith.addf %broadcast_in_dim3A_51, %mul3A_67 : vector<16xf32>
      %xor3A_69 = arith.constant 2 : i32
      %xor3A_70 = vector.broadcast %xor3A_69 : i32 to vector<16xi32>
      %xor3A_71 = arith.xori %iota3A, %xor3A_70 : vector<16xi32>
      %gather3A_72 = tpu.vector_load_idx %arg13[%add3A_40, %xor3A_71] : memref<512x64xf32, #tpu.memory_space<vmem>>[vector<16xi32>, vector<16xi32>], vector<16xf32>,
      %gather3A_73 = tpu.vector_load_idx %arg14[%add3A_40, %xor3A_71] : memref<512x64xf32, #tpu.memory_space<vmem>>[vector<16xi32>, vector<16xi32>], vector<16xf32>,
      %mul3A_74 = arith.mulf %gather3A_72, %gather3A_73 : vector<16xf32>
      %add3A_75 = arith.addf %broadcast_in_dim3A_53, %mul3A_74 : vector<16xf32>
      %xor3A_76 = arith.constant 3 : i32
      %xor3A_77 = vector.broadcast %xor3A_76 : i32 to vector<16xi32>
      %xor3A_78 = arith.xori %iota3A, %xor3A_77 : vector<16xi32>
      %gather3A_79 = tpu.vector_load_idx %arg13[%add3A_40, %xor3A_78] : memref<512x64xf32, #tpu.memory_space<vmem>>[vector<16xi32>, vector<16xi32>], vector<16xf32>,
      %gather3A_80 = tpu.vector_load_idx %arg14[%add3A_40, %xor3A_78] : memref<512x64xf32, #tpu.memory_space<vmem>>[vector<16xi32>, vector<16xi32>], vector<16xf32>,
      %mul3A_81 = arith.mulf %gather3A_79, %gather3A_80 : vector<16xf32>
      %add3A_82 = arith.addf %broadcast_in_dim3A_55, %mul3A_81 : vector<16xf32>
      %xor3A_83 = arith.constant 4 : i32
      %xor3A_84 = vector.broadcast %xor3A_83 : i32 to vector<16xi32>
      %xor3A_85 = arith.xori %iota3A, %xor3A_84 : vector<16xi32>
      %gather3A_86 = tpu.vector_load_idx %arg13[%add3A_40, %xor3A_85] : memref<512x64xf32, #tpu.memory_space<vmem>>[vector<16xi32>, vector<16xi32>], vector<16xf32>,
      %gather3A_87 = tpu.vector_load_idx %arg14[%add3A_40, %xor3A_85] : memref<512x64xf32, #tpu.memory_space<vmem>>[vector<16xi32>, vector<16xi32>], vector<16xf32>,
      %mul3A_88 = arith.mulf %gather3A_86, %gather3A_87 : vector<16xf32>
      %add3A_89 = arith.addf %add3A_61, %mul3A_88 : vector<16xf32>
      %xor3A_90 = arith.constant 5 : i32
      %xor3A_91 = vector.broadcast %xor3A_90 : i32 to vector<16xi32>
      %xor3A_92 = arith.xori %iota3A, %xor3A_91 : vector<16xi32>
      %gather3A_93 = tpu.vector_load_idx %arg13[%add3A_40, %xor3A_92] : memref<512x64xf32, #tpu.memory_space<vmem>>[vector<16xi32>, vector<16xi32>], vector<16xf32>,
      %gather3A_94 = tpu.vector_load_idx %arg14[%add3A_40, %xor3A_92] : memref<512x64xf32, #tpu.memory_space<vmem>>[vector<16xi32>, vector<16xi32>], vector<16xf32>,
      %mul3A_95 = arith.mulf %gather3A_93, %gather3A_94 : vector<16xf32>
      %add3A_96 = arith.addf %add3A_68, %mul3A_95 : vector<16xf32>
      %xor3A_97 = arith.constant 6 : i32
      %xor3A_98 = vector.broadcast %xor3A_97 : i32 to vector<16xi32>
      %xor3A_99 = arith.xori %iota3A, %xor3A_98 : vector<16xi32>
      %gather3A_100 = tpu.vector_load_idx %arg13[%add3A_40, %xor3A_99] : memref<512x64xf32, #tpu.memory_space<vmem>>[vector<16xi32>, vector<16xi32>], vector<16xf32>,
      %gather3A_101 = tpu.vector_load_idx %arg14[%add3A_40, %xor3A_99] : memref<512x64xf32, #tpu.memory_space<vmem>>[vector<16xi32>, vector<16xi32>], vector<16xf32>,
      %mul3A_102 = arith.mulf %gather3A_100, %gather3A_101 : vector<16xf32>
      %add3A_103 = arith.addf %add3A_75, %mul3A_102 : vector<16xf32>
      %xor3A_104 = arith.constant 7 : i32
      %xor3A_105 = vector.broadcast %xor3A_104 : i32 to vector<16xi32>
      %xor3A_106 = arith.xori %iota3A, %xor3A_105 : vector<16xi32>
      %gather3A_107 = tpu.vector_load_idx %arg13[%add3A_40, %xor3A_106] : memref<512x64xf32, #tpu.memory_space<vmem>>[vector<16xi32>, vector<16xi32>], vector<16xf32>,
      %gather3A_108 = tpu.vector_load_idx %arg14[%add3A_40, %xor3A_106] : memref<512x64xf32, #tpu.memory_space<vmem>>[vector<16xi32>, vector<16xi32>], vector<16xf32>,
      %mul3A_109 = arith.mulf %gather3A_107, %gather3A_108 : vector<16xf32>
      %add3A_110 = arith.addf %add3A_82, %mul3A_109 : vector<16xf32>
      %xor3A_111 = arith.constant 8 : i32
      %xor3A_112 = vector.broadcast %xor3A_111 : i32 to vector<16xi32>
      %xor3A_113 = arith.xori %iota3A, %xor3A_112 : vector<16xi32>
      %gather3A_114 = tpu.vector_load_idx %arg13[%add3A_40, %xor3A_113] : memref<512x64xf32, #tpu.memory_space<vmem>>[vector<16xi32>, vector<16xi32>], vector<16xf32>,
      %gather3A_115 = tpu.vector_load_idx %arg14[%add3A_40, %xor3A_113] : memref<512x64xf32, #tpu.memory_space<vmem>>[vector<16xi32>, vector<16xi32>], vector<16xf32>,
      %mul3A_116 = arith.mulf %gather3A_114, %gather3A_115 : vector<16xf32>
      %add3A_117 = arith.addf %add3A_89, %mul3A_116 : vector<16xf32>
      %xor3A_118 = arith.constant 9 : i32
      %xor3A_119 = vector.broadcast %xor3A_118 : i32 to vector<16xi32>
      %xor3A_120 = arith.xori %iota3A, %xor3A_119 : vector<16xi32>
      %gather3A_121 = tpu.vector_load_idx %arg13[%add3A_40, %xor3A_120] : memref<512x64xf32, #tpu.memory_space<vmem>>[vector<16xi32>, vector<16xi32>], vector<16xf32>,
      %gather3A_122 = tpu.vector_load_idx %arg14[%add3A_40, %xor3A_120] : memref<512x64xf32, #tpu.memory_space<vmem>>[vector<16xi32>, vector<16xi32>], vector<16xf32>,
      %mul3A_123 = arith.mulf %gather3A_121, %gather3A_122 : vector<16xf32>
      %add3A_124 = arith.addf %add3A_96, %mul3A_123 : vector<16xf32>
      %xor3A_125 = arith.constant 10 : i32
      %xor3A_126 = vector.broadcast %xor3A_125 : i32 to vector<16xi32>
      %xor3A_127 = arith.xori %iota3A, %xor3A_126 : vector<16xi32>
      %gather3A_128 = tpu.vector_load_idx %arg13[%add3A_40, %xor3A_127] : memref<512x64xf32, #tpu.memory_space<vmem>>[vector<16xi32>, vector<16xi32>], vector<16xf32>,
      %gather3A_129 = tpu.vector_load_idx %arg14[%add3A_40, %xor3A_127] : memref<512x64xf32, #tpu.memory_space<vmem>>[vector<16xi32>, vector<16xi32>], vector<16xf32>,
      %mul3A_130 = arith.mulf %gather3A_128, %gather3A_129 : vector<16xf32>
      %add3A_131 = arith.addf %add3A_103, %mul3A_130 : vector<16xf32>
      %xor3A_132 = arith.constant 11 : i32
      %xor3A_133 = vector.broadcast %xor3A_132 : i32 to vector<16xi32>
      %xor3A_134 = arith.xori %iota3A, %xor3A_133 : vector<16xi32>
      %gather3A_135 = tpu.vector_load_idx %arg13[%add3A_40, %xor3A_134] : memref<512x64xf32, #tpu.memory_space<vmem>>[vector<16xi32>, vector<16xi32>], vector<16xf32>,
      %gather3A_136 = tpu.vector_load_idx %arg14[%add3A_40, %xor3A_134] : memref<512x64xf32, #tpu.memory_space<vmem>>[vector<16xi32>, vector<16xi32>], vector<16xf32>,
      %mul3A_137 = arith.mulf %gather3A_135, %gather3A_136 : vector<16xf32>
      %add3A_138 = arith.addf %add3A_110, %mul3A_137 : vector<16xf32>
      %xor3A_139 = arith.constant 12 : i32
      %xor3A_140 = vector.broadcast %xor3A_139 : i32 to vector<16xi32>
      %xor3A_141 = arith.xori %iota3A, %xor3A_140 : vector<16xi32>
      %gather3A_142 = tpu.vector_load_idx %arg13[%add3A_40, %xor3A_141] : memref<512x64xf32, #tpu.memory_space<vmem>>[vector<16xi32>, vector<16xi32>], vector<16xf32>,
      %gather3A_143 = tpu.vector_load_idx %arg14[%add3A_40, %xor3A_141] : memref<512x64xf32, #tpu.memory_space<vmem>>[vector<16xi32>, vector<16xi32>], vector<16xf32>,
      %mul3A_144 = arith.mulf %gather3A_142, %gather3A_143 : vector<16xf32>
      %add3A_145 = arith.addf %add3A_117, %mul3A_144 : vector<16xf32>
      %xor3A_146 = arith.constant 13 : i32
      %xor3A_147 = vector.broadcast %xor3A_146 : i32 to vector<16xi32>
      %xor3A_148 = arith.xori %iota3A, %xor3A_147 : vector<16xi32>
      %gather3A_149 = tpu.vector_load_idx %arg13[%add3A_40, %xor3A_148] : memref<512x64xf32, #tpu.memory_space<vmem>>[vector<16xi32>, vector<16xi32>], vector<16xf32>,
      %gather3A_150 = tpu.vector_load_idx %arg14[%add3A_40, %xor3A_148] : memref<512x64xf32, #tpu.memory_space<vmem>>[vector<16xi32>, vector<16xi32>], vector<16xf32>,
      %mul3A_151 = arith.mulf %gather3A_149, %gather3A_150 : vector<16xf32>
      %add3A_152 = arith.addf %add3A_124, %mul3A_151 : vector<16xf32>
      %xor3A_153 = arith.constant 14 : i32
      %xor3A_154 = vector.broadcast %xor3A_153 : i32 to vector<16xi32>
      %xor3A_155 = arith.xori %iota3A, %xor3A_154 : vector<16xi32>
      %gather3A_156 = tpu.vector_load_idx %arg13[%add3A_40, %xor3A_155] : memref<512x64xf32, #tpu.memory_space<vmem>>[vector<16xi32>, vector<16xi32>], vector<16xf32>,
      %gather3A_157 = tpu.vector_load_idx %arg14[%add3A_40, %xor3A_155] : memref<512x64xf32, #tpu.memory_space<vmem>>[vector<16xi32>, vector<16xi32>], vector<16xf32>,
      %mul3A_158 = arith.mulf %gather3A_156, %gather3A_157 : vector<16xf32>
      %add3A_159 = arith.addf %add3A_131, %mul3A_158 : vector<16xf32>
      %xor3A_160 = arith.constant 15 : i32
      %xor3A_161 = vector.broadcast %xor3A_160 : i32 to vector<16xi32>
      %xor3A_162 = arith.xori %iota3A, %xor3A_161 : vector<16xi32>
      %gather3A_163 = tpu.vector_load_idx %arg13[%add3A_40, %xor3A_162] : memref<512x64xf32, #tpu.memory_space<vmem>>[vector<16xi32>, vector<16xi32>], vector<16xf32>,
      %gather3A_164 = tpu.vector_load_idx %arg14[%add3A_40, %xor3A_162] : memref<512x64xf32, #tpu.memory_space<vmem>>[vector<16xi32>, vector<16xi32>], vector<16xf32>,
      %mul3A_165 = arith.mulf %gather3A_163, %gather3A_164 : vector<16xf32>
      %add3A_166 = arith.addf %add3A_138, %mul3A_165 : vector<16xf32>
      %xor3A_167 = arith.constant 16 : i32
      %xor3A_168 = vector.broadcast %xor3A_167 : i32 to vector<16xi32>
      %xor3A_169 = arith.xori %iota3A, %xor3A_168 : vector<16xi32>
      %gather3A_170 = tpu.vector_load_idx %arg13[%add3A_40, %xor3A_169] : memref<512x64xf32, #tpu.memory_space<vmem>>[vector<16xi32>, vector<16xi32>], vector<16xf32>,
      %gather3A_171 = tpu.vector_load_idx %arg14[%add3A_40, %xor3A_169] : memref<512x64xf32, #tpu.memory_space<vmem>>[vector<16xi32>, vector<16xi32>], vector<16xf32>,
      %mul3A_172 = arith.mulf %gather3A_170, %gather3A_171 : vector<16xf32>
      %add3A_173 = arith.addf %add3A_145, %mul3A_172 : vector<16xf32>
      %xor3A_174 = arith.constant 17 : i32
      %xor3A_175 = vector.broadcast %xor3A_174 : i32 to vector<16xi32>
      %xor3A_176 = arith.xori %iota3A, %xor3A_175 : vector<16xi32>
      %gather3A_177 = tpu.vector_load_idx %arg13[%add3A_40, %xor3A_176] : memref<512x64xf32, #tpu.memory_space<vmem>>[vector<16xi32>, vector<16xi32>], vector<16xf32>,
      %gather3A_178 = tpu.vector_load_idx %arg14[%add3A_40, %xor3A_176] : memref<512x64xf32, #tpu.memory_space<vmem>>[vector<16xi32>, vector<16xi32>], vector<16xf32>,
      %mul3A_179 = arith.mulf %gather3A_177, %gather3A_178 : vector<16xf32>
      %add3A_180 = arith.addf %add3A_152, %mul3A_179 : vector<16xf32>
      %xor3A_181 = arith.constant 18 : i32
      %xor3A_182 = vector.broadcast %xor3A_181 : i32 to vector<16xi32>
      %xor3A_183 = arith.xori %iota3A, %xor3A_182 : vector<16xi32>
      %gather3A_184 = tpu.vector_load_idx %arg13[%add3A_40, %xor3A_183] : memref<512x64xf32, #tpu.memory_space<vmem>>[vector<16xi32>, vector<16xi32>], vector<16xf32>,
      %gather3A_185 = tpu.vector_load_idx %arg14[%add3A_40, %xor3A_183] : memref<512x64xf32, #tpu.memory_space<vmem>>[vector<16xi32>, vector<16xi32>], vector<16xf32>,
      %mul3A_186 = arith.mulf %gather3A_184, %gather3A_185 : vector<16xf32>
      %add3A_187 = arith.addf %add3A_159, %mul3A_186 : vector<16xf32>
      %xor3A_188 = arith.constant 19 : i32
      %xor3A_189 = vector.broadcast %xor3A_188 : i32 to vector<16xi32>
      %xor3A_190 = arith.xori %iota3A, %xor3A_189 : vector<16xi32>
      %gather3A_191 = tpu.vector_load_idx %arg13[%add3A_40, %xor3A_190] : memref<512x64xf32, #tpu.memory_space<vmem>>[vector<16xi32>, vector<16xi32>], vector<16xf32>,
      %gather3A_192 = tpu.vector_load_idx %arg14[%add3A_40, %xor3A_190] : memref<512x64xf32, #tpu.memory_space<vmem>>[vector<16xi32>, vector<16xi32>], vector<16xf32>,
      %mul3A_193 = arith.mulf %gather3A_191, %gather3A_192 : vector<16xf32>
      %add3A_194 = arith.addf %add3A_166, %mul3A_193 : vector<16xf32>
      %xor3A_195 = arith.constant 20 : i32
      %xor3A_196 = vector.broadcast %xor3A_195 : i32 to vector<16xi32>
      %xor3A_197 = arith.xori %iota3A, %xor3A_196 : vector<16xi32>
      %gather3A_198 = tpu.vector_load_idx %arg13[%add3A_40, %xor3A_197] : memref<512x64xf32, #tpu.memory_space<vmem>>[vector<16xi32>, vector<16xi32>], vector<16xf32>,
      %gather3A_199 = tpu.vector_load_idx %arg14[%add3A_40, %xor3A_197] : memref<512x64xf32, #tpu.memory_space<vmem>>[vector<16xi32>, vector<16xi32>], vector<16xf32>,
      %mul3A_200 = arith.mulf %gather3A_198, %gather3A_199 : vector<16xf32>
      %add3A_201 = arith.addf %add3A_173, %mul3A_200 : vector<16xf32>
      %xor3A_202 = arith.constant 21 : i32
      %xor3A_203 = vector.broadcast %xor3A_202 : i32 to vector<16xi32>
      %xor3A_204 = arith.xori %iota3A, %xor3A_203 : vector<16xi32>
      %gather3A_205 = tpu.vector_load_idx %arg13[%add3A_40, %xor3A_204] : memref<512x64xf32, #tpu.memory_space<vmem>>[vector<16xi32>, vector<16xi32>], vector<16xf32>,
      %gather3A_206 = tpu.vector_load_idx %arg14[%add3A_40, %xor3A_204] : memref<512x64xf32, #tpu.memory_space<vmem>>[vector<16xi32>, vector<16xi32>], vector<16xf32>,
      %mul3A_207 = arith.mulf %gather3A_205, %gather3A_206 : vector<16xf32>
      %add3A_208 = arith.addf %add3A_180, %mul3A_207 : vector<16xf32>
      %xor3A_209 = arith.constant 22 : i32
      %xor3A_210 = vector.broadcast %xor3A_209 : i32 to vector<16xi32>
      %xor3A_211 = arith.xori %iota3A, %xor3A_210 : vector<16xi32>
      %gather3A_212 = tpu.vector_load_idx %arg13[%add3A_40, %xor3A_211] : memref<512x64xf32, #tpu.memory_space<vmem>>[vector<16xi32>, vector<16xi32>], vector<16xf32>,
      %gather3A_213 = tpu.vector_load_idx %arg14[%add3A_40, %xor3A_211] : memref<512x64xf32, #tpu.memory_space<vmem>>[vector<16xi32>, vector<16xi32>], vector<16xf32>,
      %mul3A_214 = arith.mulf %gather3A_212, %gather3A_213 : vector<16xf32>
      %add3A_215 = arith.addf %add3A_187, %mul3A_214 : vector<16xf32>
      %xor3A_216 = arith.constant 23 : i32
      %xor3A_217 = vector.broadcast %xor3A_216 : i32 to vector<16xi32>
      %xor3A_218 = arith.xori %iota3A, %xor3A_217 : vector<16xi32>
      %gather3A_219 = tpu.vector_load_idx %arg13[%add3A_40, %xor3A_218] : memref<512x64xf32, #tpu.memory_space<vmem>>[vector<16xi32>, vector<16xi32>], vector<16xf32>,
      %gather3A_220 = tpu.vector_load_idx %arg14[%add3A_40, %xor3A_218] : memref<512x64xf32, #tpu.memory_space<vmem>>[vector<16xi32>, vector<16xi32>], vector<16xf32>,
      %mul3A_221 = arith.mulf %gather3A_219, %gather3A_220 : vector<16xf32>
      %add3A_222 = arith.addf %add3A_194, %mul3A_221 : vector<16xf32>
      %xor3A_223 = arith.constant 24 : i32
      %xor3A_224 = vector.broadcast %xor3A_223 : i32 to vector<16xi32>
      %xor3A_225 = arith.xori %iota3A, %xor3A_224 : vector<16xi32>
      %gather3A_226 = tpu.vector_load_idx %arg13[%add3A_40, %xor3A_225] : memref<512x64xf32, #tpu.memory_space<vmem>>[vector<16xi32>, vector<16xi32>], vector<16xf32>,
      %gather3A_227 = tpu.vector_load_idx %arg14[%add3A_40, %xor3A_225] : memref<512x64xf32, #tpu.memory_space<vmem>>[vector<16xi32>, vector<16xi32>], vector<16xf32>,
      %mul3A_228 = arith.mulf %gather3A_226, %gather3A_227 : vector<16xf32>
      %add3A_229 = arith.addf %add3A_201, %mul3A_228 : vector<16xf32>
      %xor3A_230 = arith.constant 25 : i32
      %xor3A_231 = vector.broadcast %xor3A_230 : i32 to vector<16xi32>
      %xor3A_232 = arith.xori %iota3A, %xor3A_231 : vector<16xi32>
      %gather3A_233 = tpu.vector_load_idx %arg13[%add3A_40, %xor3A_232] : memref<512x64xf32, #tpu.memory_space<vmem>>[vector<16xi32>, vector<16xi32>], vector<16xf32>,
      %gather3A_234 = tpu.vector_load_idx %arg14[%add3A_40, %xor3A_232] : memref<512x64xf32, #tpu.memory_space<vmem>>[vector<16xi32>, vector<16xi32>], vector<16xf32>,
      %mul3A_235 = arith.mulf %gather3A_233, %gather3A_234 : vector<16xf32>
      %add3A_236 = arith.addf %add3A_208, %mul3A_235 : vector<16xf32>
      %xor3A_237 = arith.constant 26 : i32
      %xor3A_238 = vector.broadcast %xor3A_237 : i32 to vector<16xi32>
      %xor3A_239 = arith.xori %iota3A, %xor3A_238 : vector<16xi32>
      %gather3A_240 = tpu.vector_load_idx %arg13[%add3A_40, %xor3A_239] : memref<512x64xf32, #tpu.memory_space<vmem>>[vector<16xi32>, vector<16xi32>], vector<16xf32>,
      %gather3A_241 = tpu.vector_load_idx %arg14[%add3A_40, %xor3A_239] : memref<512x64xf32, #tpu.memory_space<vmem>>[vector<16xi32>, vector<16xi32>], vector<16xf32>,
      %mul3A_242 = arith.mulf %gather3A_240, %gather3A_241 : vector<16xf32>
      %add3A_243 = arith.addf %add3A_215, %mul3A_242 : vector<16xf32>
      %xor3A_244 = arith.constant 27 : i32
      %xor3A_245 = vector.broadcast %xor3A_244 : i32 to vector<16xi32>
      %xor3A_246 = arith.xori %iota3A, %xor3A_245 : vector<16xi32>
      %gather3A_247 = tpu.vector_load_idx %arg13[%add3A_40, %xor3A_246] : memref<512x64xf32, #tpu.memory_space<vmem>>[vector<16xi32>, vector<16xi32>], vector<16xf32>,
      %gather3A_248 = tpu.vector_load_idx %arg14[%add3A_40, %xor3A_246] : memref<512x64xf32, #tpu.memory_space<vmem>>[vector<16xi32>, vector<16xi32>], vector<16xf32>,
      %mul3A_249 = arith.mulf %gather3A_247, %gather3A_248 : vector<16xf32>
      %add3A_250 = arith.addf %add3A_222, %mul3A_249 : vector<16xf32>
      %xor3A_251 = arith.constant 28 : i32
      %xor3A_252 = vector.broadcast %xor3A_251 : i32 to vector<16xi32>
      %xor3A_253 = arith.xori %iota3A, %xor3A_252 : vector<16xi32>
      %gather3A_254 = tpu.vector_load_idx %arg13[%add3A_40, %xor3A_253] : memref<512x64xf32, #tpu.memory_space<vmem>>[vector<16xi32>, vector<16xi32>], vector<16xf32>,
      %gather3A_255 = tpu.vector_load_idx %arg14[%add3A_40, %xor3A_253] : memref<512x64xf32, #tpu.memory_space<vmem>>[vector<16xi32>, vector<16xi32>], vector<16xf32>,
      %mul3A_256 = arith.mulf %gather3A_254, %gather3A_255 : vector<16xf32>
      %add3A_257 = arith.addf %add3A_229, %mul3A_256 : vector<16xf32>
      %xor3A_258 = arith.constant 29 : i32
      %xor3A_259 = vector.broadcast %xor3A_258 : i32 to vector<16xi32>
      %xor3A_260 = arith.xori %iota3A, %xor3A_259 : vector<16xi32>
      %gather3A_261 = tpu.vector_load_idx %arg13[%add3A_40, %xor3A_260] : memref<512x64xf32, #tpu.memory_space<vmem>>[vector<16xi32>, vector<16xi32>], vector<16xf32>,
      %gather3A_262 = tpu.vector_load_idx %arg14[%add3A_40, %xor3A_260] : memref<512x64xf32, #tpu.memory_space<vmem>>[vector<16xi32>, vector<16xi32>], vector<16xf32>,
      %mul3A_263 = arith.mulf %gather3A_261, %gather3A_262 : vector<16xf32>
      %add3A_264 = arith.addf %add3A_236, %mul3A_263 : vector<16xf32>
      %xor3A_265 = arith.constant 30 : i32
      %xor3A_266 = vector.broadcast %xor3A_265 : i32 to vector<16xi32>
      %xor3A_267 = arith.xori %iota3A, %xor3A_266 : vector<16xi32>
      %gather3A_268 = tpu.vector_load_idx %arg13[%add3A_40, %xor3A_267] : memref<512x64xf32, #tpu.memory_space<vmem>>[vector<16xi32>, vector<16xi32>], vector<16xf32>,
      %gather3A_269 = tpu.vector_load_idx %arg14[%add3A_40, %xor3A_267] : memref<512x64xf32, #tpu.memory_space<vmem>>[vector<16xi32>, vector<16xi32>], vector<16xf32>,
      %mul3A_270 = arith.mulf %gather3A_268, %gather3A_269 : vector<16xf32>
      %add3A_271 = arith.addf %add3A_243, %mul3A_270 : vector<16xf32>
      %xor3A_272 = arith.constant 31 : i32
      %xor3A_273 = vector.broadcast %xor3A_272 : i32 to vector<16xi32>
      %xor3A_274 = arith.xori %iota3A, %xor3A_273 : vector<16xi32>
      %gather3A_275 = tpu.vector_load_idx %arg13[%add3A_40, %xor3A_274] : memref<512x64xf32, #tpu.memory_space<vmem>>[vector<16xi32>, vector<16xi32>], vector<16xf32>,
      %gather3A_276 = tpu.vector_load_idx %arg14[%add3A_40, %xor3A_274] : memref<512x64xf32, #tpu.memory_space<vmem>>[vector<16xi32>, vector<16xi32>], vector<16xf32>,
      %mul3A_277 = arith.mulf %gather3A_275, %gather3A_276 : vector<16xf32>
      %add3A_278 = arith.addf %add3A_250, %mul3A_277 : vector<16xf32>
      %xor3A_279 = arith.constant 32 : i32
      %xor3A_280 = vector.broadcast %xor3A_279 : i32 to vector<16xi32>
      %xor3A_281 = arith.xori %iota3A, %xor3A_280 : vector<16xi32>
      %gather3A_282 = tpu.vector_load_idx %arg13[%add3A_40, %xor3A_281] : memref<512x64xf32, #tpu.memory_space<vmem>>[vector<16xi32>, vector<16xi32>], vector<16xf32>,
      %gather3A_283 = tpu.vector_load_idx %arg14[%add3A_40, %xor3A_281] : memref<512x64xf32, #tpu.memory_space<vmem>>[vector<16xi32>, vector<16xi32>], vector<16xf32>,
      %mul3A_284 = arith.mulf %gather3A_282, %gather3A_283 : vector<16xf32>
      %add3A_285 = arith.addf %add3A_257, %mul3A_284 : vector<16xf32>
      %xor3A_286 = arith.constant 33 : i32
      %xor3A_287 = vector.broadcast %xor3A_286 : i32 to vector<16xi32>
      %xor3A_288 = arith.xori %iota3A, %xor3A_287 : vector<16xi32>
      %gather3A_289 = tpu.vector_load_idx %arg13[%add3A_40, %xor3A_288] : memref<512x64xf32, #tpu.memory_space<vmem>>[vector<16xi32>, vector<16xi32>], vector<16xf32>,
      %gather3A_290 = tpu.vector_load_idx %arg14[%add3A_40, %xor3A_288] : memref<512x64xf32, #tpu.memory_space<vmem>>[vector<16xi32>, vector<16xi32>], vector<16xf32>,
      %mul3A_291 = arith.mulf %gather3A_289, %gather3A_290 : vector<16xf32>
      %add3A_292 = arith.addf %add3A_264, %mul3A_291 : vector<16xf32>
      %xor3A_293 = arith.constant 34 : i32
      %xor3A_294 = vector.broadcast %xor3A_293 : i32 to vector<16xi32>
      %xor3A_295 = arith.xori %iota3A, %xor3A_294 : vector<16xi32>
      %gather3A_296 = tpu.vector_load_idx %arg13[%add3A_40, %xor3A_295] : memref<512x64xf32, #tpu.memory_space<vmem>>[vector<16xi32>, vector<16xi32>], vector<16xf32>,
      %gather3A_297 = tpu.vector_load_idx %arg14[%add3A_40, %xor3A_295] : memref<512x64xf32, #tpu.memory_space<vmem>>[vector<16xi32>, vector<16xi32>], vector<16xf32>,
      %mul3A_298 = arith.mulf %gather3A_296, %gather3A_297 : vector<16xf32>
      %add3A_299 = arith.addf %add3A_271, %mul3A_298 : vector<16xf32>
      %xor3A_300 = arith.constant 35 : i32
      %xor3A_301 = vector.broadcast %xor3A_300 : i32 to vector<16xi32>
      %xor3A_302 = arith.xori %iota3A, %xor3A_301 : vector<16xi32>
      %gather3A_303 = tpu.vector_load_idx %arg13[%add3A_40, %xor3A_302] : memref<512x64xf32, #tpu.memory_space<vmem>>[vector<16xi32>, vector<16xi32>], vector<16xf32>,
      %gather3A_304 = tpu.vector_load_idx %arg14[%add3A_40, %xor3A_302] : memref<512x64xf32, #tpu.memory_space<vmem>>[vector<16xi32>, vector<16xi32>], vector<16xf32>,
      %mul3A_305 = arith.mulf %gather3A_303, %gather3A_304 : vector<16xf32>
      %add3A_306 = arith.addf %add3A_278, %mul3A_305 : vector<16xf32>
      %xor3A_307 = arith.constant 36 : i32
      %xor3A_308 = vector.broadcast %xor3A_307 : i32 to vector<16xi32>
      %xor3A_309 = arith.xori %iota3A, %xor3A_308 : vector<16xi32>
      %gather3A_310 = tpu.vector_load_idx %arg13[%add3A_40, %xor3A_309] : memref<512x64xf32, #tpu.memory_space<vmem>>[vector<16xi32>, vector<16xi32>], vector<16xf32>,
      %gather3A_311 = tpu.vector_load_idx %arg14[%add3A_40, %xor3A_309] : memref<512x64xf32, #tpu.memory_space<vmem>>[vector<16xi32>, vector<16xi32>], vector<16xf32>,
      %mul3A_312 = arith.mulf %gather3A_310, %gather3A_311 : vector<16xf32>
      %add3A_313 = arith.addf %add3A_285, %mul3A_312 : vector<16xf32>
      %xor3A_314 = arith.constant 37 : i32
      %xor3A_315 = vector.broadcast %xor3A_314 : i32 to vector<16xi32>
      %xor3A_316 = arith.xori %iota3A, %xor3A_315 : vector<16xi32>
      %gather3A_317 = tpu.vector_load_idx %arg13[%add3A_40, %xor3A_316] : memref<512x64xf32, #tpu.memory_space<vmem>>[vector<16xi32>, vector<16xi32>], vector<16xf32>,
      %gather3A_318 = tpu.vector_load_idx %arg14[%add3A_40, %xor3A_316] : memref<512x64xf32, #tpu.memory_space<vmem>>[vector<16xi32>, vector<16xi32>], vector<16xf32>,
      %mul3A_319 = arith.mulf %gather3A_317, %gather3A_318 : vector<16xf32>
      %add3A_320 = arith.addf %add3A_292, %mul3A_319 : vector<16xf32>
      %xor3A_321 = arith.constant 38 : i32
      %xor3A_322 = vector.broadcast %xor3A_321 : i32 to vector<16xi32>
      %xor3A_323 = arith.xori %iota3A, %xor3A_322 : vector<16xi32>
      %gather3A_324 = tpu.vector_load_idx %arg13[%add3A_40, %xor3A_323] : memref<512x64xf32, #tpu.memory_space<vmem>>[vector<16xi32>, vector<16xi32>], vector<16xf32>,
      %gather3A_325 = tpu.vector_load_idx %arg14[%add3A_40, %xor3A_323] : memref<512x64xf32, #tpu.memory_space<vmem>>[vector<16xi32>, vector<16xi32>], vector<16xf32>,
      %mul3A_326 = arith.mulf %gather3A_324, %gather3A_325 : vector<16xf32>
      %add3A_327 = arith.addf %add3A_299, %mul3A_326 : vector<16xf32>
      %xor3A_328 = arith.constant 39 : i32
      %xor3A_329 = vector.broadcast %xor3A_328 : i32 to vector<16xi32>
      %xor3A_330 = arith.xori %iota3A, %xor3A_329 : vector<16xi32>
      %gather3A_331 = tpu.vector_load_idx %arg13[%add3A_40, %xor3A_330] : memref<512x64xf32, #tpu.memory_space<vmem>>[vector<16xi32>, vector<16xi32>], vector<16xf32>,
      %gather3A_332 = tpu.vector_load_idx %arg14[%add3A_40, %xor3A_330] : memref<512x64xf32, #tpu.memory_space<vmem>>[vector<16xi32>, vector<16xi32>], vector<16xf32>,
      %mul3A_333 = arith.mulf %gather3A_331, %gather3A_332 : vector<16xf32>
      %add3A_334 = arith.addf %add3A_306, %mul3A_333 : vector<16xf32>
      %xor3A_335 = arith.constant 40 : i32
      %xor3A_336 = vector.broadcast %xor3A_335 : i32 to vector<16xi32>
      %xor3A_337 = arith.xori %iota3A, %xor3A_336 : vector<16xi32>
      %gather3A_338 = tpu.vector_load_idx %arg13[%add3A_40, %xor3A_337] : memref<512x64xf32, #tpu.memory_space<vmem>>[vector<16xi32>, vector<16xi32>], vector<16xf32>,
      %gather3A_339 = tpu.vector_load_idx %arg14[%add3A_40, %xor3A_337] : memref<512x64xf32, #tpu.memory_space<vmem>>[vector<16xi32>, vector<16xi32>], vector<16xf32>,
      %mul3A_340 = arith.mulf %gather3A_338, %gather3A_339 : vector<16xf32>
      %add3A_341 = arith.addf %add3A_313, %mul3A_340 : vector<16xf32>
      %xor3A_342 = arith.constant 41 : i32
      %xor3A_343 = vector.broadcast %xor3A_342 : i32 to vector<16xi32>
      %xor3A_344 = arith.xori %iota3A, %xor3A_343 : vector<16xi32>
      %gather3A_345 = tpu.vector_load_idx %arg13[%add3A_40, %xor3A_344] : memref<512x64xf32, #tpu.memory_space<vmem>>[vector<16xi32>, vector<16xi32>], vector<16xf32>,
      %gather3A_346 = tpu.vector_load_idx %arg14[%add3A_40, %xor3A_344] : memref<512x64xf32, #tpu.memory_space<vmem>>[vector<16xi32>, vector<16xi32>], vector<16xf32>,
      %mul3A_347 = arith.mulf %gather3A_345, %gather3A_346 : vector<16xf32>
      %add3A_348 = arith.addf %add3A_320, %mul3A_347 : vector<16xf32>
      %xor3A_349 = arith.constant 42 : i32
      %xor3A_350 = vector.broadcast %xor3A_349 : i32 to vector<16xi32>
      %xor3A_351 = arith.xori %iota3A, %xor3A_350 : vector<16xi32>
      %gather3A_352 = tpu.vector_load_idx %arg13[%add3A_40, %xor3A_351] : memref<512x64xf32, #tpu.memory_space<vmem>>[vector<16xi32>, vector<16xi32>], vector<16xf32>,
      %gather3A_353 = tpu.vector_load_idx %arg14[%add3A_40, %xor3A_351] : memref<512x64xf32, #tpu.memory_space<vmem>>[vector<16xi32>, vector<16xi32>], vector<16xf32>,
      %mul3A_354 = arith.mulf %gather3A_352, %gather3A_353 : vector<16xf32>
      %add3A_355 = arith.addf %add3A_327, %mul3A_354 : vector<16xf32>
      %xor3A_356 = arith.constant 43 : i32
      %xor3A_357 = vector.broadcast %xor3A_356 : i32 to vector<16xi32>
      %xor3A_358 = arith.xori %iota3A, %xor3A_357 : vector<16xi32>
      %gather3A_359 = tpu.vector_load_idx %arg13[%add3A_40, %xor3A_358] : memref<512x64xf32, #tpu.memory_space<vmem>>[vector<16xi32>, vector<16xi32>], vector<16xf32>,
      %gather3A_360 = tpu.vector_load_idx %arg14[%add3A_40, %xor3A_358] : memref<512x64xf32, #tpu.memory_space<vmem>>[vector<16xi32>, vector<16xi32>], vector<16xf32>,
      %mul3A_361 = arith.mulf %gather3A_359, %gather3A_360 : vector<16xf32>
      %add3A_362 = arith.addf %add3A_334, %mul3A_361 : vector<16xf32>
      %xor3A_363 = arith.constant 44 : i32
      %xor3A_364 = vector.broadcast %xor3A_363 : i32 to vector<16xi32>
      %xor3A_365 = arith.xori %iota3A, %xor3A_364 : vector<16xi32>
      %gather3A_366 = tpu.vector_load_idx %arg13[%add3A_40, %xor3A_365] : memref<512x64xf32, #tpu.memory_space<vmem>>[vector<16xi32>, vector<16xi32>], vector<16xf32>,
      %gather3A_367 = tpu.vector_load_idx %arg14[%add3A_40, %xor3A_365] : memref<512x64xf32, #tpu.memory_space<vmem>>[vector<16xi32>, vector<16xi32>], vector<16xf32>,
      %mul3A_368 = arith.mulf %gather3A_366, %gather3A_367 : vector<16xf32>
      %add3A_369 = arith.addf %add3A_341, %mul3A_368 : vector<16xf32>
      %xor3A_370 = arith.constant 45 : i32
      %xor3A_371 = vector.broadcast %xor3A_370 : i32 to vector<16xi32>
      %xor3A_372 = arith.xori %iota3A, %xor3A_371 : vector<16xi32>
      %gather3A_373 = tpu.vector_load_idx %arg13[%add3A_40, %xor3A_372] : memref<512x64xf32, #tpu.memory_space<vmem>>[vector<16xi32>, vector<16xi32>], vector<16xf32>,
      %gather3A_374 = tpu.vector_load_idx %arg14[%add3A_40, %xor3A_372] : memref<512x64xf32, #tpu.memory_space<vmem>>[vector<16xi32>, vector<16xi32>], vector<16xf32>,
      %mul3A_375 = arith.mulf %gather3A_373, %gather3A_374 : vector<16xf32>
      %add3A_376 = arith.addf %add3A_348, %mul3A_375 : vector<16xf32>
      %xor3A_377 = arith.constant 46 : i32
      %xor3A_378 = vector.broadcast %xor3A_377 : i32 to vector<16xi32>
      %xor3A_379 = arith.xori %iota3A, %xor3A_378 : vector<16xi32>
      %gather3A_380 = tpu.vector_load_idx %arg13[%add3A_40, %xor3A_379] : memref<512x64xf32, #tpu.memory_space<vmem>>[vector<16xi32>, vector<16xi32>], vector<16xf32>,
      %gather3A_381 = tpu.vector_load_idx %arg14[%add3A_40, %xor3A_379] : memref<512x64xf32, #tpu.memory_space<vmem>>[vector<16xi32>, vector<16xi32>], vector<16xf32>,
      %mul3A_382 = arith.mulf %gather3A_380, %gather3A_381 : vector<16xf32>
      %add3A_383 = arith.addf %add3A_355, %mul3A_382 : vector<16xf32>
      %xor3A_384 = arith.constant 47 : i32
      %xor3A_385 = vector.broadcast %xor3A_384 : i32 to vector<16xi32>
      %xor3A_386 = arith.xori %iota3A, %xor3A_385 : vector<16xi32>
      %gather3A_387 = tpu.vector_load_idx %arg13[%add3A_40, %xor3A_386] : memref<512x64xf32, #tpu.memory_space<vmem>>[vector<16xi32>, vector<16xi32>], vector<16xf32>,
      %gather3A_388 = tpu.vector_load_idx %arg14[%add3A_40, %xor3A_386] : memref<512x64xf32, #tpu.memory_space<vmem>>[vector<16xi32>, vector<16xi32>], vector<16xf32>,
      %mul3A_389 = arith.mulf %gather3A_387, %gather3A_388 : vector<16xf32>
      %add3A_390 = arith.addf %add3A_362, %mul3A_389 : vector<16xf32>
      %xor3A_391 = arith.constant 48 : i32
      %xor3A_392 = vector.broadcast %xor3A_391 : i32 to vector<16xi32>
      %xor3A_393 = arith.xori %iota3A, %xor3A_392 : vector<16xi32>
      %gather3A_394 = tpu.vector_load_idx %arg13[%add3A_40, %xor3A_393] : memref<512x64xf32, #tpu.memory_space<vmem>>[vector<16xi32>, vector<16xi32>], vector<16xf32>,
      %gather3A_395 = tpu.vector_load_idx %arg14[%add3A_40, %xor3A_393] : memref<512x64xf32, #tpu.memory_space<vmem>>[vector<16xi32>, vector<16xi32>], vector<16xf32>,
      %mul3A_396 = arith.mulf %gather3A_394, %gather3A_395 : vector<16xf32>
      %add3A_397 = arith.addf %add3A_369, %mul3A_396 : vector<16xf32>
      %xor3A_398 = arith.constant 49 : i32
      %xor3A_399 = vector.broadcast %xor3A_398 : i32 to vector<16xi32>
      %xor3A_400 = arith.xori %iota3A, %xor3A_399 : vector<16xi32>
      %gather3A_401 = tpu.vector_load_idx %arg13[%add3A_40, %xor3A_400] : memref<512x64xf32, #tpu.memory_space<vmem>>[vector<16xi32>, vector<16xi32>], vector<16xf32>,
      %gather3A_402 = tpu.vector_load_idx %arg14[%add3A_40, %xor3A_400] : memref<512x64xf32, #tpu.memory_space<vmem>>[vector<16xi32>, vector<16xi32>], vector<16xf32>,
      %mul3A_403 = arith.mulf %gather3A_401, %gather3A_402 : vector<16xf32>
      %add3A_404 = arith.addf %add3A_376, %mul3A_403 : vector<16xf32>
      %xor3A_405 = arith.constant 50 : i32
      %xor3A_406 = vector.broadcast %xor3A_405 : i32 to vector<16xi32>
      %xor3A_407 = arith.xori %iota3A, %xor3A_406 : vector<16xi32>
      %gather3A_408 = tpu.vector_load_idx %arg13[%add3A_40, %xor3A_407] : memref<512x64xf32, #tpu.memory_space<vmem>>[vector<16xi32>, vector<16xi32>], vector<16xf32>,
      %gather3A_409 = tpu.vector_load_idx %arg14[%add3A_40, %xor3A_407] : memref<512x64xf32, #tpu.memory_space<vmem>>[vector<16xi32>, vector<16xi32>], vector<16xf32>,
      %mul3A_410 = arith.mulf %gather3A_408, %gather3A_409 : vector<16xf32>
      %add3A_411 = arith.addf %add3A_383, %mul3A_410 : vector<16xf32>
      %xor3A_412 = arith.constant 51 : i32
      %xor3A_413 = vector.broadcast %xor3A_412 : i32 to vector<16xi32>
      %xor3A_414 = arith.xori %iota3A, %xor3A_413 : vector<16xi32>
      %gather3A_415 = tpu.vector_load_idx %arg13[%add3A_40, %xor3A_414] : memref<512x64xf32, #tpu.memory_space<vmem>>[vector<16xi32>, vector<16xi32>], vector<16xf32>,
      %gather3A_416 = tpu.vector_load_idx %arg14[%add3A_40, %xor3A_414] : memref<512x64xf32, #tpu.memory_space<vmem>>[vector<16xi32>, vector<16xi32>], vector<16xf32>,
      %mul3A_417 = arith.mulf %gather3A_415, %gather3A_416 : vector<16xf32>
      %add3A_418 = arith.addf %add3A_390, %mul3A_417 : vector<16xf32>
      %xor3A_419 = arith.constant 52 : i32
      %xor3A_420 = vector.broadcast %xor3A_419 : i32 to vector<16xi32>
      %xor3A_421 = arith.xori %iota3A, %xor3A_420 : vector<16xi32>
      %gather3A_422 = tpu.vector_load_idx %arg13[%add3A_40, %xor3A_421] : memref<512x64xf32, #tpu.memory_space<vmem>>[vector<16xi32>, vector<16xi32>], vector<16xf32>,
      %gather3A_423 = tpu.vector_load_idx %arg14[%add3A_40, %xor3A_421] : memref<512x64xf32, #tpu.memory_space<vmem>>[vector<16xi32>, vector<16xi32>], vector<16xf32>,
      %mul3A_424 = arith.mulf %gather3A_422, %gather3A_423 : vector<16xf32>
      %add3A_425 = arith.addf %add3A_397, %mul3A_424 : vector<16xf32>
      %xor3A_426 = arith.constant 53 : i32
      %xor3A_427 = vector.broadcast %xor3A_426 : i32 to vector<16xi32>
      %xor3A_428 = arith.xori %iota3A, %xor3A_427 : vector<16xi32>
      %gather3A_429 = tpu.vector_load_idx %arg13[%add3A_40, %xor3A_428] : memref<512x64xf32, #tpu.memory_space<vmem>>[vector<16xi32>, vector<16xi32>], vector<16xf32>,
      %gather3A_430 = tpu.vector_load_idx %arg14[%add3A_40, %xor3A_428] : memref<512x64xf32, #tpu.memory_space<vmem>>[vector<16xi32>, vector<16xi32>], vector<16xf32>,
      %mul3A_431 = arith.mulf %gather3A_429, %gather3A_430 : vector<16xf32>
      %add3A_432 = arith.addf %add3A_404, %mul3A_431 : vector<16xf32>
      %xor3A_433 = arith.constant 54 : i32
      %xor3A_434 = vector.broadcast %xor3A_433 : i32 to vector<16xi32>
      %xor3A_435 = arith.xori %iota3A, %xor3A_434 : vector<16xi32>
      %gather3A_436 = tpu.vector_load_idx %arg13[%add3A_40, %xor3A_435] : memref<512x64xf32, #tpu.memory_space<vmem>>[vector<16xi32>, vector<16xi32>], vector<16xf32>,
      %gather3A_437 = tpu.vector_load_idx %arg14[%add3A_40, %xor3A_435] : memref<512x64xf32, #tpu.memory_space<vmem>>[vector<16xi32>, vector<16xi32>], vector<16xf32>,
      %mul3A_438 = arith.mulf %gather3A_436, %gather3A_437 : vector<16xf32>
      %add3A_439 = arith.addf %add3A_411, %mul3A_438 : vector<16xf32>
      %xor3A_440 = arith.constant 55 : i32
      %xor3A_441 = vector.broadcast %xor3A_440 : i32 to vector<16xi32>
      %xor3A_442 = arith.xori %iota3A, %xor3A_441 : vector<16xi32>
      %gather3A_443 = tpu.vector_load_idx %arg13[%add3A_40, %xor3A_442] : memref<512x64xf32, #tpu.memory_space<vmem>>[vector<16xi32>, vector<16xi32>], vector<16xf32>,
      %gather3A_444 = tpu.vector_load_idx %arg14[%add3A_40, %xor3A_442] : memref<512x64xf32, #tpu.memory_space<vmem>>[vector<16xi32>, vector<16xi32>], vector<16xf32>,
      %mul3A_445 = arith.mulf %gather3A_443, %gather3A_444 : vector<16xf32>
      %add3A_446 = arith.addf %add3A_418, %mul3A_445 : vector<16xf32>
      %xor3A_447 = arith.constant 56 : i32
      %xor3A_448 = vector.broadcast %xor3A_447 : i32 to vector<16xi32>
      %xor3A_449 = arith.xori %iota3A, %xor3A_448 : vector<16xi32>
      %gather3A_450 = tpu.vector_load_idx %arg13[%add3A_40, %xor3A_449] : memref<512x64xf32, #tpu.memory_space<vmem>>[vector<16xi32>, vector<16xi32>], vector<16xf32>,
      %gather3A_451 = tpu.vector_load_idx %arg14[%add3A_40, %xor3A_449] : memref<512x64xf32, #tpu.memory_space<vmem>>[vector<16xi32>, vector<16xi32>], vector<16xf32>,
      %mul3A_452 = arith.mulf %gather3A_450, %gather3A_451 : vector<16xf32>
      %add3A_453 = arith.addf %add3A_425, %mul3A_452 : vector<16xf32>
      %xor3A_454 = arith.constant 57 : i32
      %xor3A_455 = vector.broadcast %xor3A_454 : i32 to vector<16xi32>
      %xor3A_456 = arith.xori %iota3A, %xor3A_455 : vector<16xi32>
      %gather3A_457 = tpu.vector_load_idx %arg13[%add3A_40, %xor3A_456] : memref<512x64xf32, #tpu.memory_space<vmem>>[vector<16xi32>, vector<16xi32>], vector<16xf32>,
      %gather3A_458 = tpu.vector_load_idx %arg14[%add3A_40, %xor3A_456] : memref<512x64xf32, #tpu.memory_space<vmem>>[vector<16xi32>, vector<16xi32>], vector<16xf32>,
      %mul3A_459 = arith.mulf %gather3A_457, %gather3A_458 : vector<16xf32>
      %add3A_460 = arith.addf %add3A_432, %mul3A_459 : vector<16xf32>
      %xor3A_461 = arith.constant 58 : i32
      %xor3A_462 = vector.broadcast %xor3A_461 : i32 to vector<16xi32>
      %xor3A_463 = arith.xori %iota3A, %xor3A_462 : vector<16xi32>
      %gather3A_464 = tpu.vector_load_idx %arg13[%add3A_40, %xor3A_463] : memref<512x64xf32, #tpu.memory_space<vmem>>[vector<16xi32>, vector<16xi32>], vector<16xf32>,
      %gather3A_465 = tpu.vector_load_idx %arg14[%add3A_40, %xor3A_463] : memref<512x64xf32, #tpu.memory_space<vmem>>[vector<16xi32>, vector<16xi32>], vector<16xf32>,
      %mul3A_466 = arith.mulf %gather3A_464, %gather3A_465 : vector<16xf32>
      %add3A_467 = arith.addf %add3A_439, %mul3A_466 : vector<16xf32>
      %xor3A_468 = arith.constant 59 : i32
      %xor3A_469 = vector.broadcast %xor3A_468 : i32 to vector<16xi32>
      %xor3A_470 = arith.xori %iota3A, %xor3A_469 : vector<16xi32>
      %gather3A_471 = tpu.vector_load_idx %arg13[%add3A_40, %xor3A_470] : memref<512x64xf32, #tpu.memory_space<vmem>>[vector<16xi32>, vector<16xi32>], vector<16xf32>,
      %gather3A_472 = tpu.vector_load_idx %arg14[%add3A_40, %xor3A_470] : memref<512x64xf32, #tpu.memory_space<vmem>>[vector<16xi32>, vector<16xi32>], vector<16xf32>,
      %mul3A_473 = arith.mulf %gather3A_471, %gather3A_472 : vector<16xf32>
      %add3A_474 = arith.addf %add3A_446, %mul3A_473 : vector<16xf32>
      %xor3A_475 = arith.constant 60 : i32
      %xor3A_476 = vector.broadcast %xor3A_475 : i32 to vector<16xi32>
      %xor3A_477 = arith.xori %iota3A, %xor3A_476 : vector<16xi32>
      %gather3A_478 = tpu.vector_load_idx %arg13[%add3A_40, %xor3A_477] : memref<512x64xf32, #tpu.memory_space<vmem>>[vector<16xi32>, vector<16xi32>], vector<16xf32>,
      %gather3A_479 = tpu.vector_load_idx %arg14[%add3A_40, %xor3A_477] : memref<512x64xf32, #tpu.memory_space<vmem>>[vector<16xi32>, vector<16xi32>], vector<16xf32>,
      %mul3A_480 = arith.mulf %gather3A_478, %gather3A_479 : vector<16xf32>
      %add3A_481 = arith.addf %add3A_453, %mul3A_480 : vector<16xf32>
      %xor3A_482 = arith.constant 61 : i32
      %xor3A_483 = vector.broadcast %xor3A_482 : i32 to vector<16xi32>
      %xor3A_484 = arith.xori %iota3A, %xor3A_483 : vector<16xi32>
      %gather3A_485 = tpu.vector_load_idx %arg13[%add3A_40, %xor3A_484] : memref<512x64xf32, #tpu.memory_space<vmem>>[vector<16xi32>, vector<16xi32>], vector<16xf32>,
      %gather3A_486 = tpu.vector_load_idx %arg14[%add3A_40, %xor3A_484] : memref<512x64xf32, #tpu.memory_space<vmem>>[vector<16xi32>, vector<16xi32>], vector<16xf32>,
      %mul3A_487 = arith.mulf %gather3A_485, %gather3A_486 : vector<16xf32>
      %add3A_488 = arith.addf %add3A_460, %mul3A_487 : vector<16xf32>
      %xor3A_489 = arith.constant 62 : i32
      %xor3A_490 = vector.broadcast %xor3A_489 : i32 to vector<16xi32>
      %xor3A_491 = arith.xori %iota3A, %xor3A_490 : vector<16xi32>
      %gather3A_492 = tpu.vector_load_idx %arg13[%add3A_40, %xor3A_491] : memref<512x64xf32, #tpu.memory_space<vmem>>[vector<16xi32>, vector<16xi32>], vector<16xf32>,
      %gather3A_493 = tpu.vector_load_idx %arg14[%add3A_40, %xor3A_491] : memref<512x64xf32, #tpu.memory_space<vmem>>[vector<16xi32>, vector<16xi32>], vector<16xf32>,
      %mul3A_494 = arith.mulf %gather3A_492, %gather3A_493 : vector<16xf32>
      %add3A_495 = arith.addf %add3A_467, %mul3A_494 : vector<16xf32>
      %xor3A_496 = arith.constant 63 : i32
      %xor3A_497 = vector.broadcast %xor3A_496 : i32 to vector<16xi32>
      %xor3A_498 = arith.xori %iota3A, %xor3A_497 : vector<16xi32>
      %gather3A_499 = tpu.vector_load_idx %arg13[%add3A_40, %xor3A_498] : memref<512x64xf32, #tpu.memory_space<vmem>>[vector<16xi32>, vector<16xi32>], vector<16xf32>,
      %gather3A_500 = tpu.vector_load_idx %arg14[%add3A_40, %xor3A_498] : memref<512x64xf32, #tpu.memory_space<vmem>>[vector<16xi32>, vector<16xi32>], vector<16xf32>,
      %mul3A_501 = arith.mulf %gather3A_499, %gather3A_500 : vector<16xf32>
      %add3A_502 = arith.addf %add3A_474, %mul3A_501 : vector<16xf32>
      %add3A_503 = arith.addf %add3A_481, %add3A_488 : vector<16xf32>
      %add3A_504 = arith.addf %add3A_495, %add3A_502 : vector<16xf32>
      %add3A_505 = arith.addf %add3A_503, %add3A_504 : vector<16xf32>
      %swap3A = arith.index_cast %mul3A_38 : i32 to index
      %swap3A_506 = tpu.vector_load %arg17[%swap3A] {strides = array<i32>} : memref<512xf32, #tpu.memory_space<vmem>>, vector<16xf32>,
      tpu.vector_store %arg17[%swap3A], %add3A_505 {strides = array<i32>} : memref<512xf32, #tpu.memory_space<vmem>>, vector<16xf32>,
    }
    %scan3A_35 = arith.constant 32 : i32
    "tpu.region"() ({
      %run_scoped3A = tpu.sem_alloc : memref<!tpu.dma_semaphore, #tpu.memory_space<semaphore_mem>>
      %dma_start3A_36 = tpu.memref_slice %arg8[%mul3A_2] : memref<16384xf32, #tpu.memory_space<hbm>> -> memref<512xf32, #tpu.memory_space<hbm>>
      %dma_start3A_37 = tpu.memref_slice %arg8[%mul3A_2] : memref<16384xf32, #tpu.memory_space<hbm>> -> memref<512xf32, #tpu.memory_space<hbm>>
      tpu.enqueue_dma source(%arg17 : memref<512xf32, #tpu.memory_space<vmem>>) target(%dma_start3A_37 : memref<512xf32, #tpu.memory_space<hbm>>) target_semaphore(%run_scoped3A : memref<!tpu.dma_semaphore, #tpu.memory_space<semaphore_mem>>)
      %dma_wait3A_38 = tpu.memref_slice %arg8[%mul3A_2] : memref<16384xf32, #tpu.memory_space<hbm>> -> memref<512xf32, #tpu.memory_space<hbm>>
      %dma_wait3A_39 = tpu.memref_slice %arg8[%mul3A_2] : memref<16384xf32, #tpu.memory_space<hbm>> -> memref<512xf32, #tpu.memory_space<hbm>>
      tpu.wait_dma2 semaphore(%run_scoped3A : memref<!tpu.dma_semaphore, #tpu.memory_space<semaphore_mem>>) src(%arg17 : memref<512xf32, #tpu.memory_space<vmem>>) dst(%dma_wait3A_39 : memref<512xf32, #tpu.memory_space<hbm>>)
      tpu.yield
    }) : () -> ()
    return
  }
}

</mosaic_0001>

<sc_bundles>
// kernel: kernel.3.cloned.1.call-start
scs
__scs_entry_jumppad:
0x0: {  	(pc) =	sbr.rel $0x88, $3  }
0x1: {  	(tag) =	ssettag $0x0;
	lr =	simm.s32 $0x1  }
0x2: {  	[smem:$0x3F9B] =	sst lr;
	_ =	strace $0xD0000000  }
0x3: {  	_ = 	snop  }
0x4: {  	_ = 	snop  }
0x5: {  	_ = 	snop  }
0x6: {  	_ = 	snop  }
0x7: {  	_ = 	snop  }
__scs_overlays_trampoline_lowered:
0x8: {  	[smem:$0x3FAA] =	sst s0  }
0x9: {  	[smem:$0x3FAB] =	sst s1  }
0xa: {  	[smem:$0x3FAC] =	sst s2  }
0xb: {  	[smem:$0x3FAD] =	sst s3  }
0xc: {  	[smem:$0x3FAE] =	sst s4  }
0xd: {  	[smem:$0x3FAF] =	sst s5  }
0xe: {  	[smem:$0x3FB0] =	sst s6  }
0xf: {  	[smem:$0x3FB1] =	sst s7  }
0x10: {  	[smem:$0x3FB2] =	sst s8  }
0x11: {  	[smem:$0x3FB3] =	sst s9;
	s0 =	simm.s32 @!p0 $0x0  }
0x12: {  	s1 =	sld [smem:$0x3F99];
	s0 =	simm.s32 @p0 $0x1  }
0x13: {  	[smem:$0x3FB4] =	sst s0;
	s0 =	simm.s32 @!p1 $0x0  }
0x14: {  	s2 =	sld [smem:$0x3F98];
	s0 =	simm.s32 @p1 $0x1  }
0x15: {  	[smem:$0x3FB5] =	sst s0;
	s0 =	simm.s32 @!p2 $0x0  }
0x16: {  	s3 =	sld [smem:$0x3FDB];
	s0 =	simm.s32 @p2 $0x1  }
0x17: {  	s4 =	simm.s32 $0x1BF5;
	[smem:$0x3FB7] =	sst s0  }
0x18: {  	s0 =	sld [smem:$0x3F9A];
	_ =	swait.ge [sflag:s4], $0x0  }
0x19: {  	s7 =	sld [smem:$0x3F9B]  }
0x1a: {  	s8 =	sadd.s32 $0xFFFFE003, lr  }
0x1b: {  	s9 =	sadd.s32 $0xFFFFFEF7, lr;
	s5 =	simm.s32 $0xFFFFFFFF;
	p2 =	slt.u32 s8, $0xFFFFF086  }
0x1c: {  	p1 =	slt.u32 s9, $0xF7A;
	s5 =	simm.s32 @!p2 $0x0  }
0x1d: {  	s5 =	simm.s32 @p1 $0x1;
	p0 =	seq.s32 s7, s2  }
0x1e: {  	s7 =	smul.u32 @!p0 $0xF7A, s2;
	p2 =	seq.s32 @!p0 s5, $0x0  }
0x1f: {  	s9 =	smul.u32 $0xF7A, s1;
	s8 =	simm.s32 @!p0 $0x1BF5;
	p2 =	por !p2, p0  }
0x20: {  	[sflag:s8] =	ssyncset.s32 @!p0 $0xFFFFF086;
	s6 =	sadd.s32 @!p0 s3, s7;
	s7 =	simm.s32 @!p0 $0x108  }
0x21: {  	s3 =	sadd.s32 s3, s9;
	s6 =	sadd.s32 @!p0 $0x88, s6;
	s7 =	simm.s32 @p2 $0x1082  }
0x22: {  	[simem:s7], [sflag:s8] =	dma.local @!p0 [hbm:s6], $0xF7A  }
0x23: {  	s9 =	sor.u32 $0xD0000000, s2;
	s6 =	simm.s32 $0x108;
	_ =	swait.ge @!p0 [sflag:s8], $0x0  }
0x24: {  	s3 =	sadd.s32 $0x88, s3;
	s6 =	simm.s32 @!p1 $0x1082;
	[sflag:s4] =	ssyncset.s32 $0xFFFFF086  }
0x25: {  	[simem:s6], [sflag:s4] =	dma.local [hbm:s3], $0xF7A  }
0x26: {  	[smem:$0x3F9B] =	sst s1;
	(tag) =	ssettag s2;
	_ =	strace s9  }
0x27: {  	s1 =	sld [smem:$0x3FAB]  }
0x28: {  	s2 =	sld [smem:$0x3FAC]  }
0x29: {  	s4 =	sld [smem:$0x3FAE]  }
0x2a: {  	p0 =	seq.s32 s5, $0x0;
	s5 =	sld [smem:$0x3FAF]  }
0x2b: {  	s6 =	sld [smem:$0x3FB0]  }
0x2c: {  	s7 =	sld [smem:$0x3FB1]  }
0x2d: {  	s3 =	simm.s32 $0x108;
	s8 =	sld [smem:$0x3FB2]  }
0x2e: {  	s3 =	simm.s32 @!p0 $0x1082;
	s9 =	sld [smem:$0x3FB3]  }
0x2f: {  	lr =	sadd.s32 s0, s3;
	s0 =	sld [smem:$0x3FAA]  }
0x30: {  	s3 =	sld [smem:$0x3FAD]  }
0x31: {  	[smem:$0x3FB6] =	sst s10  }
0x32: {  	s10 =	sld [smem:$0x3FB4];
	_ =	sdelay $0x3  }
0x33: {  	p0 =	seq.s32 s10, $0x1;
	s10 =	sld [smem:$0x3FB6];
	_ =	sdelay $0x3  }
0x34: {  	[smem:$0x3FB6] =	sst s10  }
0x35: {  	s10 =	sld [smem:$0x3FB5];
	_ =	sdelay $0x3  }
0x36: {  	p1 =	seq.s32 s10, $0x1;
	s10 =	sld [smem:$0x3FB6];
	_ =	sdelay $0x3  }
0x37: {  	[smem:$0x3FB6] =	sst s10  }
0x38: {  	s10 =	sld [smem:$0x3FB7]  }
0x39: {  	_ = 	snop;
	(pc) =	sbr.ind lr, $3  }
0x3a: {  	_ = 	snop  }
0x3b: {  	_ = 	snop  }
0x3c: {  	p2 =	seq.s32 s10, $0x1;
	s10 =	sld [smem:$0x3FB6]  }
0x3d: {  	_ =	shalt  }
0x3e: {  	_ =	shalt  }
0x3f: {  	_ =	shalt  }
0x40: {  	_ =	shalt  }
0x41: {  	_ =	shalt  }
0x42: {  	_ =	shalt  }
0x43: {  	_ =	shalt  }
0x44: {  	_ =	shalt  }
0x45: {  	_ =	shalt  }
0x46: {  	_ =	shalt  }
0x47: {  	_ =	shalt  }
0x48: {  	_ =	shalt  }
0x49: {  	_ =	shalt  }
0x4a: {  	_ =	shalt  }
0x4b: {  	_ =	shalt  }
0x4c: {  	_ =	shalt  }
0x4d: {  	_ =	shalt  }
0x4e: {  	_ =	shalt  }
0x4f: {  	_ =	shalt  }
0x50: {  	_ =	shalt  }
0x51: {  	_ =	shalt  }
0x52: {  	_ =	shalt  }
0x53: {  	_ =	shalt  }
0x54: {  	_ =	shalt  }
0x55: {  	_ =	shalt  }
0x56: {  	_ =	shalt  }
0x57: {  	_ =	shalt  }
0x58: {  	_ =	shalt  }
0x59: {  	_ =	shalt  }
0x5a: {  	_ =	shalt  }
0x5b: {  	_ =	shalt  }
0x5c: {  	_ =	shalt  }
0x5d: {  	_ =	shalt  }
0x5e: {  	_ =	shalt  }
0x5f: {  	_ =	shalt  }
0x60: {  	_ =	shalt  }
0x61: {  	_ =	shalt  }
0x62: {  	_ =	shalt  }
0x63: {  	_ =	shalt  }
0x64: {  	_ =	shalt  }
0x65: {  	_ =	shalt  }
0x66: {  	_ =	shalt  }
0x67: {  	_ =	shalt  }
0x68: {  	_ =	shalt  }
0x69: {  	_ =	shalt  }
0x6a: {  	_ =	shalt  }
0x6b: {  	_ =	shalt  }
0x6c: {  	_ =	shalt  }
0x6d: {  	_ =	shalt  }
0x6e: {  	_ =	shalt  }
0x6f: {  	_ =	shalt  }
0x70: {  	_ =	shalt  }
0x71: {  	_ =	shalt  }
0x72: {  	_ =	shalt  }
0x73: {  	_ =	shalt  }
0x74: {  	_ =	shalt  }
0x75: {  	_ =	shalt  }
0x76: {  	_ =	shalt  }
0x77: {  	_ =	shalt  }
0x78: {  	_ =	shalt  }
0x79: {  	_ =	shalt  }
0x7a: {  	_ =	shalt  }
0x7b: {  	_ =	shalt  }
0x7c: {  	_ =	shalt  }
0x7d: {  	_ =	shalt  }
0x7e: {  	_ =	shalt  }
0x7f: {  	_ =	shalt  }
0x80: {  	_ =	shalt  }
0x81: {  	_ =	shalt  }
0x82: {  	_ =	shalt  }
0x83: {  	_ =	shalt  }
0x84: {  	_ =	shalt  }
0x85: {  	_ =	shalt  }
0x86: {  	_ =	shalt  }
0x87: {  	_ =	shalt  }
.Lfunc_end0:
.L_simem_size_0:
called_computation_lowered:
.L_overlay_start_0:
0x88: {  	s2 =	sld [smem:$0x3FD9]  }
0x89: {  	s3 =	sld [smem:$0x3FFE];
	_ =	sdelay $0x1  }
0x8a: {  	s1 =	srdreg.scid  }
0x8b: {  	s0 =	sand.u32 $0x1, s1  }
0x8c: {  	s17 =	sshll.u32 s0, $0xA;
	s2 =	sadd.s32 s3, s2  }
0x8d: {  	s2 =	sadd.s32 s2, s17  }
0x8e: {  	[smem:$0x3FC2] =	sst s2  }
0x8f: {  	_ = 	snop  }
0x90: {  	s2 =	sld [smem:$0x3FC9]  }
0x91: {  	s18 =	sld [smem:$0x3FC8]  }
0x92: {  	s4 =	sld [smem:$0x3FD0];
	(tm) =	ssettm $0x1  }
0x93: {  	s5 =	sld [smem:$0x3FFB];
	_ =	sdelay $0x3  }
0x94: {  	_ =	strace s5  }
0x95: {  	s5 =	sld [smem:$0x3FFC];
	_ =	sdelay $0x3  }
0x96: {  	_ =	strace s5  }
0x97: {  	s5 =	sld [smem:$0x3FFD];
	_ =	sdelay $0x3  }
0x98: {  	_ =	strace s5  }
0x99: {  	_ =	strace $0x8FFFFFFF  }
0x9a: {  	s19 =	sld [smem:$0x3FDB];
	_ =	sdelay $0x1  }
0x9b: {  	s6 =	simm.s32 $_scs_section_size  }
0x9c: {  	s7 =	simm.s32 $_size__tile_overlayer_lowered;
	s8 =	simm.s32 $_tile_overlayer_lowered  }
0x9d: {  	s22 =	simm.s32 $0x1BFF;
	s21 =	sshll.u32 s8, $0x1;
	s5 =	sadd.s32 s6, s19  }
0x9e: {  	s9 =	simm.s32 $0x0;
	s20 =	sshll.u32 s7, $0x1;
	s7 =	sadd.s32 s21, s5  }
0x9f: {  	[timem:s9], [sflag:s22] =	dma.local [hbm:s7], s20  }
0xa0: {  	_ =	swait.ge [sflag:s22], s20  }
0xa1: {  	s6 =	ssub.s32 $0x0, s20;
	[sflag:s22] =	ssyncset.done $0x0  }
0xa2: {  	[sflag:s22] =	ssyncadd.s32 s6;
	_ =	sdelay $0x1  }
0xa3: {  	s23 =	simm.s32 $0x1B8B  }
0xa4: {  	_ =	swait.ge [sflag:s23], $0x1  }
0xa5: {  	[sflag:s23] =	ssyncset.done $0x0  }
0xa6: {  	s25 =	simm.s32 $0x1B8E;
	s24 =	sld [smem:$0x3FFE];
	[sflag:s23] =	ssyncadd.s32 $0xFFFFFFFF  }
0xa7: {  	s26 =	simm.s32 $execute0_lowered;
	[smem:$0x3FD2] =	sst s25  }
0xa8: {  	s7 =	sshll.u32 s26, $0x1;
	_ =	strace $0x80000046;
	[dreg:$0x1] =	wrdreg $0xFFFFFFFF  }
0xa9: {  	s28 =	simm.s32 $_size_execute0_lowered;
	s5 =	sadd.s32 s5, s7;
	[dreg:$0x0] =	wrdreg $0x0  }
0xaa: {  	s7 =	sshll.u32 s28, $0x1;
	[dreg:$0x2] =	wrdreg s5  }
0xab: {  	[dreg:$0x3] =	wrdreg s7  }
0xac: {  	[dreg:$0x4] =	wrdreg $0xC0  }
0xad: {  	_ =	task [dreg:s9], $0x5FFFF  }
0xae: {  	[dreg:$0x1] =	wrdreg $0xFFFFFFFF  }
0xaf: {  	[dreg:$0x0] =	wrdreg $0x60  }
0xb0: {  	[dreg:$0x2] =	wrdreg s2  }
0xb1: {  	[dreg:$0x3] =	wrdreg s18  }
0xb2: {  	[dreg:$0x4] =	wrdreg s24  }
0xb3: {  	[dreg:$0x5] =	wrdreg s4  }
0xb4: {  	[dreg:$0x6] =	wrdreg $0x9  }
0xb5: {  	_ =	task.clear_ibuf [dreg:s9], $0x7FFFF;
	_ =	strace $0x90000046  }
0xb6: {  	s29 =	simm.s32 $0x9;
	_ =	strace $0x80000048  }
0xb7: {  	_ =	swait.ge [sflag:s29], $0x1  }
0xb8: {  	[sflag:s29] =	ssyncadd.s32 $0xFFFFFFFF  }
0xb9: {  	_ =	strace $0x90000048  }
0xba: {  	_ =	sfence  }
0xbb: {  	s30 =	sld [smem:$0x0];
	_ =	sdelay $0x2  }
0xbc: {  	s31 =	sshll.u32 s1, $0xD;
	s1 =	sshrl.u32 s1, $0x2  }
0xbd: {  	s3 =	sand.u32 $0x4000, s31;
	s1 =	sadd.s32 s1, s30  }
0xbe: {  	s0 =	sor.u32 s3, s0;
	s1 =	sshll.u32 s1, $0x11  }
0xbf: {  	s0 =	sor.u32 s1, s0  }
0xc0: {  	s0 =	sadd.s32 $0x8F2B, s0  }
0xc1: {  	[sflag:s0] =	ssyncadd.remote.s32 $0x1  }
0xc2: {  	_ =	sfence.sel $0xFFFF  }
0xc3: {  	[dreg:$0x0] =	wrdreg $0xFFFFFFFF;
	(pc) =	sbr.abs _section_cstart, $3  }
0xc4: {  	[dreg:$0x1] =	wrdreg $0xFFFFFFFF  }
0xc5: {  	_ =	task.clear_ibuf [dreg:s9], $0x2FFFF;
	_ =	strace $0x9FFFFFFF  }
0xc6: {  	(tm) =	ssettm $0x7FFFFFFF  }
0xc7: {  	_ =	shalt  }
tec
execute0_lowered:
.L_overlay_start_1:
0x0: {  	(tag) =	ssettag $0x1  }
0x1: {  	v0 =	vimm.s32 $0xEFCDAB89;
	v1 =	vimm.s32 $0x67452301  }
0x2: {  	v2 =	vimm.s32 $0xDCFE98BA;
	v3 =	vimm.s32 $0x54761032;
	v4 =	vimm.s32 $0xCDEF89AB  }
0x3: {  	v5 =	vimm.s32 $0x45670123;
	v7 =	vimm.s32 $0xBA98FEDC;
	v8 =	vimm.s32 $0x32107654  }
0x4: {  	v10 =	vimm.s32 $0xAB89EFCD;
	v11 =	vimm.s32 $0x23016745;
	v12 =	vimm.s32 $0x98BADCFE  }
0x5: {  	v40 =	vimm.s32 $0x10325476;
	v13 =	vimm.s32 $0x89ABCDEF;
	v14 =	vimm.s32 $0x1234567  }
0x6: {  	v15 =	vimm.s32 $0xFEDCBA98;
	v16 =	vimm.s32 $0x76543210;
	vm0 =	vcmask $0x1F10  }
0x7: {  	v52 =	vimm.s32 $0x1A1B1819;
	v53 =	vimm.s32 $0x1E1F1C1D;
	v54 =	vimm.s32 $0x12131011  }
0x8: {  	v55 =	vimm.s32 $0x16171415;
	v56 =	vimm.s32 $0x19181B1A;
	v57 =	vimm.s32 $0x1D1C1F1E  }
0x9: {  	v58 =	vimm.s32 $0x11101312;
	v59 =	vimm.s32 $0x15141716;
	v60 =	vimm.s32 $0x18191A1B  }
0xa: {  	v61 =	vimm.s32 $0x1C1D1E1F;
	v62 =	vimm.s32 $0x10111213;
	v63 =	vimm.s32 $0x14151617  }
0xb: {  	v22 =	vimm.s32 $0x1F1E1D1C;
	v23 =	vimm.s32 $0x1B1A1918;
	v34 =	vimm.s32 $0x17161514  }
0xc: {  	v0 =	vunpack.c.l.s4.s8 v0;
	v1 =	vunpack.c.l.s4.s8 v1;
	v2 =	vunpack.c.l.s4.s8 v2  }
0xd: {  	v3 =	vunpack.c.l.s4.s8 v3;
	v4 =	vunpack.c.l.s4.s8 v4;
	v5 =	vunpack.c.l.s4.s8 v5  }
0xe: {  	v7 =	vunpack.c.l.s4.s8 v7;
	v8 =	vunpack.c.l.s4.s8 v8;
	v10 =	vunpack.c.l.s4.s8 v10  }
0xf: {  	v37 =	vunpack.c.l.s4.s8 v11;
	v38 =	vunpack.c.l.s4.s8 v12;
	v12 =	vunpack.c.l.s4.s8 v40  }
0x10: {  	v13 =	vunpack.c.l.s4.s8 v13;
	v14 =	vunpack.c.l.s4.s8 v14;
	v15 =	vunpack.c.l.s4.s8 v15  }
0x11: {  	v16 =	vunpack.c.l.s4.s8 v16;
	v21 =	vunpack.c.0.s8.s32 v61;
	v24 =	vunpack.c.0.s8.s32 v62  }
0x12: {  	v25 =	vunpack.c.0.s8.s32 v63;
	v26 =	vunpack.c.0.s8.s32 v22;
	v61 =	vimm.s32 $0x3A3B3839  }
0x13: {  	v27 =	vunpack.c.0.s8.s32 v23;
	v40 =	vimm.s32 $0x26272425;
	v63 =	vunpack.c.0.s8.s32 v61  }
0x14: {  	v0 =	vunpack.c.0.s8.s32 v0;
	v1 =	vunpack.c.0.s8.s32 v1;
	v2 =	vunpack.c.0.s8.s32 v2  }
0x15: {  	v3 =	vunpack.c.0.s8.s32 v3;
	v4 =	vunpack.c.0.s8.s32 v4;
	v5 =	vunpack.c.0.s8.s32 v5  }
0x16: {  	v7 =	vunpack.c.0.s8.s32 v7;
	v8 =	vunpack.c.0.s8.s32 v8;
	v10 =	vunpack.c.0.s8.s32 v10  }
0x17: {  	v11 =	vunpack.c.0.s8.s32 v38;
	v12 =	vunpack.c.0.s8.s32 v12;
	v13 =	vunpack.c.0.s8.s32 v13  }
0x18: {  	v14 =	vunpack.c.0.s8.s32 v14;
	v6 =	vcombine.low v1, v0;
	v36 =	vcombine.low v3, v2  }
0x19: {  	v15 =	vunpack.c.0.s8.s32 v15;
	v9 =	vcombine.low v5, v4;
	v39 =	vcombine.low v8, v7  }
0x1a: {  	v42 =	vunpack.c.0.s8.s32 v16;
	v18 =	vcombine.low v12, v11;
	v41 =	vcombine.low v14, v13  }
0x1b: {  	v44 =	vand.u32 $0xF, v15;
	v0 =	vand.u32 $0xF, v0;
	v46 =	vand.u32 $0xF, v2  }
0x1c: {  	[tilespmem:$0x1FCC0] =	vst v63;
	v47 =	vand.u32 $0xF, v4;
	v48 =	vand.u32 $0xF, v7;
	v6 =	vand.u32 $0xF, v6  }
0x1d: {  	v49 =	vand.u32 $0xF, v10;
	v45 =	vcombine.low v44, v42;
	v43 =	vand.u32 $0xF, v18;
	[tilespmem:$0x1FB50] =	vst v6  }
0x1e: {  	v50 =	vand.u32 $0xF, v11;
	v2 =	vunpack.c.0.s8.s32 v54;
	v0 =	vcombine.low v0, v1;
	[tilespmem:$0x1FB70] =	vst v43  }
0x1f: {  	v4 =	vunpack.c.0.s8.s32 v56;
	v7 =	vunpack.c.0.s8.s32 v59;
	v51 =	vcombine.low v50, v12;
	[tilespmem:$0x1FB80] =	vst v45  }
0x20: {  	v54 =	vimm.s32 $0x24252627;
	v13 =	vcombine.low v47, v5;
	v42 =	vunpack.c.0.s8.s32 v40;
	[tilespmem:$0x1FB90] =	vst v0  }
0x21: {  	v16 =	vcombine.low v48, v8;
	v1 =	vunpack.c.0.s8.s32 v53;
	v15 =	vand.u32 $0xF, v41;
	[tilespmem:$0x1FBB0] =	vst v51  }
0x22: {  	v41 =	vimm.s32 $0x29282B2A;
	v6 =	vand.u32 $0xF, v36;
	v0 =	vcombine.low v46, v3;
	[tilespmem:$0x1FBF0] =	vst v42  }
0x23: {  	v18 =	vunpack.c.0.s8.s32 v60;
	v60 =	vimm.s32 $0x23222120;
	v43 =	vunpack.c.0.s8.s32 v41;
	[tilespmem:$0x1FB60] =	vst v6  }
0x24: {  	v5 =	vunpack.c.0.s8.s32 v57;
	v45 =	vimm.s32 $0x21202322;
	v62 =	vunpack.c.0.s8.s32 v60;
	[tilespmem:$0x1FBA0] =	vst v0  }
0x25: {  	v46 =	vimm.s32 $0x25242726;
	v47 =	vunpack.c.0.s8.s32 v45;
	v0 =	vunpack.c.0.s8.s32 v52;
	[tilespmem:$0x1FC00] =	vst v43  }
0x26: {  	v36 =	vimm.s32 $0x2A2B2829;
	v51 =	vimm.s32 $0x20212223;
	v48 =	vunpack.c.0.s8.s32 v46;
	[tilespmem:$0x1FCB0] =	vst v62  }
0x27: {  	[tilespmem:$0x1FC20] =	vst v47;
	v11 =	vsel vm0, v1, v0;
	v29 =	vsel vm0, v0, v1;
	v0 =	vunpack.c.0.s8.s32 v36  }
0x28: {  	v33 =	vand.u32 $0xF, v39;
	v39 =	vimm.s32 $0x22232021;
	v53 =	vunpack.c.0.s8.s32 v51;
	[tilespmem:$0x1FC30] =	vst v48  }
0x29: {  	v3 =	vunpack.c.0.s8.s32 v55;
	v55 =	vimm.s32 $0x2F2E2D2C;
	[tilespmem:$0x1FBC0] =	vst v0;
	v0 =	vunpack.c.0.s8.s32 v39  }
0x2a: {  	v44 =	vimm.s32 $0x2D2C2F2E;
	v6 =	vunpack.c.0.s8.s32 v37;
	v57 =	vunpack.c.0.s8.s32 v55;
	[tilespmem:$0x1FC60] =	vst v53  }
0x2b: {  	v56 =	vimm.s32 $0x2B2A2928;
	v37 =	vimm.s32 $0x2E2F2C2D;
	[tilespmem:$0x1FBE0] =	vst v0;
	v0 =	vunpack.c.0.s8.s32 v44  }
0x2c: {  	v38 =	vunpack.c.0.s8.s32 v37;
	v32 =	vcombine.low v49, v6;
	v49 =	vimm.s32 $0x28292A2B;
	[tilespmem:$0x1FC80] =	vst v57  }
0x2d: {  	v59 =	vimm.s32 $0x27262524;
	v50 =	vimm.s32 $0x2C2D2E2F;
	[tilespmem:$0x1FC10] =	vst v0;
	v0 =	vunpack.c.0.s8.s32 v49  }
0x2e: {  	v52 =	vunpack.c.0.s8.s32 v50;
	v17 =	vcombine.low v6, v10;
	v6 =	vunpack.c.0.s8.s32 v58;
	[tilespmem:$0x1FBD0] =	vst v38  }
0x2f: {  	s7 =	rddreg [dreg:$0x0];
	v14 =	vsel vm0, v5, v4;
	v4 =	vsel vm0, v4, v5;
	[tilespmem:$0x1FC40] =	vst v0;
	v0 =	vunpack.c.0.s8.s32 v54  }
0x30: {  	s8 =	rddreg [dreg:$0x1];
	v58 =	vunpack.c.0.s8.s32 v56;
	[tilespmem:$0x1FC50] =	vst v52;
	v31 =	vand.u32 $0xF, v17;
	v17 =	vsel vm0, v7, v6  }
0x31: {  	s6 =	rddreg [dreg:$0x2];
	v5 =	vsel vm0, v6, v7;
	v7 =	vimm.s32 $0x32333031;
	[tilespmem:$0x1FC70] =	vst v0;
	v0 =	vunpack.c.0.s8.s32 v59  }
0x32: {  	s9 =	rddreg [dreg:$0x3];
	s0 =	simm.s32 $0x0;
	v22 =	vimm.s32 $0x36373435;
	v20 =	vand.u32 $0xF, v9;
	[tilespmem:$0x1FC90] =	vst v58;
	v23 =	vunpack.c.0.s8.s32 v7  }
0x33: {  	[smem:$0x7FF] =	sst s0;
	v9 =	vunpack.c.0.s8.s32 v34;
	v34 =	vunpack.c.0.s8.s32 v22;
	v36 =	vimm.s32 $0x3D3C3F3E;
	[tilespmem:$0x1FCA0] =	vst v0  }
0x34: {  	s1 =	rddreg [dreg:$0x4];
	v37 =	vimm.s32 $0x31303332;
	v38 =	vunpack.c.0.s8.s32 v36;
	_ =	strace $0x80000047;
	[tilespmem:$0x1FCE0] =	vst v23  }
0x35: {  	v41 =	vimm.s32 $0x38393A3B;
	v39 =	vunpack.c.0.s8.s32 v37;
	[tilespmem:$0x1FCF0] =	vst v34  }
0x36: {  	v42 =	vimm.s32 $0x3C3D3E3F;
	v43 =	vunpack.c.0.s8.s32 v41;
	[tilespmem:$0x1FD10] =	vst v38  }
0x37: {  	v46 =	vimm.s32 $0x34353637;
	v44 =	vunpack.c.0.s8.s32 v42;
	[tilespmem:$0x1FD20] =	vst v39  }
0x38: {  	v47 =	vimm.s32 $0x3F3E3D3C;
	v48 =	vunpack.c.0.s8.s32 v46;
	[tilespmem:$0x1FD40] =	vst v43  }
0x39: {  	v51 =	vimm.s32 $0x37363534;
	v49 =	vunpack.c.0.s8.s32 v47;
	[tilespmem:$0x1FD50] =	vst v44  }
0x3a: {  	v53 =	vunpack.c.0.s8.s32 v51;
	v52 =	vimm.s32 $0x33323130;
	[tilespmem:$0x1FD70] =	vst v48  }
0x3b: {  	v54 =	vunpack.c.0.s8.s32 v52;
	[tilespmem:$0x1FD80] =	vst v49  }
0x3c: {  	[tilespmem:$0x1FDA0] =	vst v53  }
0x3d: {  	v12 =	vsel vm0, v3, v2;
	[tilespmem:$0x1FDB0] =	vst v54  }
0x3e: {  	v55 =	vcombine.low v12, v11;
	[tilespmem:$0x1FDC0] =	vst v11  }
0x3f: {  	[tilespmem:$0x1FDD0] =	vst v12  }
0x40: {  	[tilespmem:$0x1FDE0] =	vst v55  }
0x41: {  	v56 =	vcombine.low v17, v14;
	[tilespmem:$0x1FDF0] =	vst v14  }
0x42: {  	[tilespmem:$0x1FE00] =	vst v17  }
0x43: {  	[tilespmem:$0x1FE10] =	vst v56  }
0x44: {  	[tilespmem:$0x1FE20] =	vst v18  }
0x45: {  	[tilespmem:$0x1FE30] =	vst v21  }
0x46: {  	[tilespmem:$0x1FE40] =	vst v24  }
0x47: {  	[tilespmem:$0x1FE50] =	vst v25  }
0x48: {  	v35 =	vimm.s32 $0x13121110;
	[tilespmem:$0x1FE60] =	vst v26  }
0x49: {  	v19 =	vlaneseq.u32;
	v8 =	vunpack.c.0.s8.s32 v35;
	[tilespmem:$0x1FE70] =	vst v27  }
0x4a: {  	v10 =	vmul.u32 $0xFFFFFFFF, v19;
	[tilespmem:$0x1FE80] =	vst v9  }
0x4b: {  	[tilespmem:$0x1FE90] =	vst v8  }
0x4c: {  	v57 =	vsel vm0, v21, v18;
	[tilespmem:$0x1FEA0] =	vst v10  }
0x4d: {  	v58 =	vsel vm0, v25, v24;
	[tilespmem:$0x1FEB0] =	vst v57  }
0x4e: {  	v59 =	vsel vm0, v27, v26;
	[tilespmem:$0x1FEC0] =	vst v58  }
0x4f: {  	v60 =	vsel vm0, v8, v9;
	[tilespmem:$0x1FED0] =	vst v59  }
0x50: {  	v62 =	vor.u32 $0x10, v19;
	[tilespmem:$0x1FEE0] =	vst v60  }
0x51: {  	[tilespmem:$0x1FEF0] =	vst v62  }
0x52: {  	v3 =	vsel vm0, v2, v3;
	[tilespmem:$0x1FF00] =	vst v29  }
0x53: {  	[tilespmem:$0x1FF10] =	vst v3  }
0x54: {  	v63 =	vcombine.low v5, v4;
	[tilespmem:$0x1FF20] =	vst v4  }
0x55: {  	[tilespmem:$0x1FF30] =	vst v5  }
0x56: {  	[tilespmem:$0x1FF40] =	vst v63  }
0x57: {  	[tilespmem:$0x1FF50] =	vst v20  }
0x58: {  	[tilespmem:$0x1FF60] =	vst v15  }
0x59: {  	v6 =	vimm.s32 $0x3E3F3C3D;
	v61 =	vadd.s32 $0xF, v10;
	[tilespmem:$0x1FF70] =	vst v13  }
0x5a: {  	v0 =	vunpack.c.0.s8.s32 v6;
	[tilespmem:$0x1FF80] =	vst v61  }
0x5b: {  	v35 =	vimm.s32 $0x39383B3A;
	[tilespmem:$0x1FFC0] =	vst v32  }
0x5c: {  	s14 =	simm.s32 $0x8800;
	[tilespmem:$0x1FCD0] =	vst v0;
	v0 =	vunpack.c.0.s8.s32 v35  }
0x5d: {  	s4 =	srdreg.scid;
	s15 =	simm.s32 $0x400;
	s16 =	simm.s32 $0x10800;
	v40 =	vimm.s32 $0x35343736;
	[tilespmem:$0x1FFD0] =	vst v16  }
0x5e: {  	s17 =	simm.s32 $0x600;
	s18 =	simm.s32 $0x11800;
	s19 =	simm.s32 $0x1;
	[tilespmem:$0x1FD00] =	vst v0;
	v0 =	vunpack.c.0.s8.s32 v40  }
0x5f: {  	s20 =	simm.s32 $0x2;
	s21 =	simm.s32 $0x3;
	s23 =	simm.s32 $0x12800;
	v45 =	vimm.s32 $0x30313233;
	[tilespmem:$0x1FFE0] =	vst v31  }
0x60: {  	s22 =	simm.s32 $0x4;
	s2 =	sadd.s32 $0x24BA00, s6;
	s3 =	sadd.s32 $0x188400, s6;
	[tilespmem:$0x1FD30] =	vst v0;
	v0 =	vunpack.c.0.s8.s32 v45  }
0x61: {  	s24 =	simm.s32 $0x0;
	s10 =	sand.u32 $0x1, s4;
	s5 =	sadd.s32 $0x4C00, s6;
	v50 =	vimm.s32 $0x3B3A3938;
	v24 =	vcombine.low v60, v59;
	[tilespmem:$0x1FFF0] =	vst v33  }
0x62: {  	s4 =	stileid.u32;
	s6 =	sadd.s32 $0x1A00, s6;
	s11 =	ssub.s32 $0x2, s10;
	[tilespmem:$0x1FD60] =	vst v0;
	v0 =	vunpack.c.0.s8.s32 v50  }
0x63: {  	s13 =	sshll.u32 s4, $0x7;
	s10 =	sshll.u32 s10, $0x6;
	s12 =	sshrl.u32 s11, $0x1;
	v29 =	vcombine.low v3, v29;
	[tilespmem:$0x1FFA0] =	vst v24  }
0x64: {  	s10 =	sor.u32 s10, s13;
	s13 =	simm.s32 $0x800;
	s11 =	ssub.s32 s11, s12;
	[tilespmem:$0x1FD90] =	vst v0;
	v0 =	vcombine.low v58, v57  }
0x65: {  	s7 =	sadd.s32 s7, s10;
	s8 =	sadd.s32 s8, s10;
	s9 =	sadd.s32 s9, s10;
	[tilespmem:$0x1FFB0] =	vst v29  }
0x66: {  	s12 =	simm.s32 $0x200;
	s10 =	smax.u32 s11, $0x1;
	s11 =	simm.s32 $0x5;
	[tilespmem:$0x1FF90] =	vst v0  }
.LBB2_1:
0x67: {  	[tilespmem:s0], [sflag:$0x5] =	stream.linear.gather [hbm4b:s7+s0], $0x200, $0x38;
	[tilespmem:$0x12A00] =	vst v63  }
0x68: {  	_ =	swait.ge [sflag:s11], $0x200  }
0x69: {  	[sflag:s11] =	ssyncset.done $0x0  }
0x6a: {  	[sflag:s11] =	ssyncadd.s32 $0xFFFFFE00  }
0x6b: {  	[tilespmem:s12], [sflag:$0x5] =	stream.linear.gather [hbm4b:s8+s0], $0x200, $0x38;
	[tilespmem:$0x12A00] =	vst v63  }
0x6c: {  	_ =	swait.ge [sflag:s11], $0x200  }
0x6d: {  	[sflag:s11] =	ssyncset.done $0x0  }
0x6e: {  	[sflag:s11] =	ssyncadd.s32 $0xFFFFFE00  }
0x6f: {  	[tilespmem:s13], [sflag:$0x1] =	stream.indirect.gather [hbm4b:s2+s12], $0x40, s0, s12, $0xb8;
	[tilespmem:$0x12A00] =	vst v63  }
0x70: {  	s25 =	simm.s32 $0x0  }
0x71: {  	[tilespmem:s14], [sflag:$0x2] =	stream.indirect.gather [hbm4b:s3+s12], $0x40, s12, s12, $0xb8;
	[tilespmem:$0x12A00] =	vst v63  }
0x72: {  	v0 =	vld [tilespmem:s25+$0x200]  }
0x73: {  	s26 =	simm.s32 $0x40;
	v1 =	vld [tilespmem:s25+$0x0]  }
.LBB2_2:
0x74: {  	p0 =	sne.s32 s26, $0x7C0  }
.Ltmp0:
0x75: {  	_ = 	snop;
	(pc) =	sbr.rel @p0 .LBB2_2-.Ltmp0, $4  }
0x76: {  	_ = 	snop  }
0x77: {  	s28 =	sshra.s32 s26, $0x2;
	s26 =	sadd.s32 $0x40, s26;
	v2 =	vshrl.u32 v0, $0x3  }
0x78: {  	v0 =	vld [tilespmem:s28+$0x200];
	v3 =	vshrl.u32 v1, $0x3;
	[tilespmem:s25+$0x600] =	vst v2  }
0x79: {  	v1 =	vld [tilespmem:s28+$0x0];
	[tilespmem:s25+$0x400] =	vst v3;
	s25 =	smov.u32 s28  }
0x7a: {  	_ =	sdelay $0x2  }
0x7b: {  	v0 =	vshrl.u32 v0, $0x3  }
0x7c: {  	v1 =	vshrl.u32 v1, $0x3;
	[tilespmem:s25+$0x600] =	vst v0  }
0x7d: {  	s31 =	simm.s32 $0x200;
	[tilespmem:s25+$0x400] =	vst v1  }
0x7e: {  	[tilespmem:s16], [sflag:$0x3] =	stream.indirect.gather [hbm4b:s5+s31], $0x8, s15, s31, $0xb8;
	[tilespmem:$0x12A00] =	vst v63  }
0x7f: {  	_ = 	snop  }
0x80: {  	[tilespmem:s18], [sflag:$0x4] =	stream.indirect.gather [hbm4b:s6+s31], $0x8, s17, s31, $0xb8;
	[tilespmem:$0x12A00] =	vst v63  }
0x81: {  	_ =	swait.ge [sflag:s19], $0x8000  }
0x82: {  	[sflag:s19] =	ssyncset.done $0x0  }
0x83: {  	[sflag:s19] =	ssyncadd.s32 $0xFFFF8000  }
0x84: {  	_ =	swait.ge [sflag:s20], $0x8000  }
0x85: {  	v11 =	vld [tilespmem:$0x1FD80]  }
0x86: {  	v21 =	vld [tilespmem:$0x1FD90]  }
0x87: {  	v10 =	vld [tilespmem:$0x1FDA0]  }
0x88: {  	v22 =	vld [tilespmem:$0x1FDB0];
	_ =	sdelay $0x4  }
0x89: {  	s26 =	simm.s32 $0x0;
	v2 =	vsel vm0, v21, v11;
	v3 =	vsel vm0, v22, v10  }
0x8a: {  	v1 =	vor.u32 s26, v19;
	v0 =	vcombine.low v2, v3  }
0x8b: {  	[sflag:s20] =	ssyncset.done $0x0;
	[tilespmem:$0x1F470] =	vst v1  }
0x8c: {  	[sflag:s20] =	ssyncadd.s32 $0xFFFF8000;
	[tilespmem:$0x1F6E0] =	vst v0  }
0x8d: {  	_ =	swait.ge [sflag:s21], $0x1000  }
0x8e: {  	v4 =	vshll.u32 v1, $0x6;
	v1 =	vld [tilespmem:$0x1FCC0]  }
0x8f: {  	v12 =	vld [tilespmem:$0x1FCD0]  }
0x90: {  	v13 =	vld [tilespmem:$0x1FCE0]  }
0x91: {  	v14 =	vld [tilespmem:$0x1FCF0];
	_ =	sdelay $0x4  }
0x92: {  	v5 =	vsel vm0, v1, v12;
	v6 =	vsel vm0, v13, v14  }
0x93: {  	v9 =	vcombine.low v5, v6  }
0x94: {  	[sflag:s21] =	ssyncset.done $0x0  }
0x95: {  	[sflag:s21] =	ssyncadd.s32 $0xFFFFF000;
	[tilespmem:$0x1F6F0] =	vst v9  }
0x96: {  	v15 =	vld [tilespmem:$0x1FD00]  }
0x97: {  	v0 =	vor.u32 v0, v4;
	v17 =	vld [tilespmem:$0x1FD10]  }
0x98: {  	v18 =	vld [tilespmem:$0x1FD20]  }
0x99: {  	v20 =	vld [tilespmem:$0x1FD30];
	_ =	swait.ge [sflag:s22], $0x1000  }
0x9a: {  	[sflag:s22] =	ssyncset.done $0x0  }
0x9b: {  	v10 =	vsel vm0, v10, v22;
	v11 =	vsel vm0, v11, v21;
	[sflag:s22] =	ssyncadd.s32 $0xFFFFF000  }
0x9c: {  	v21 =	vcombine.low v11, v10;
	v11 =	vsel vm0, v12, v1;
	v1 =	vld.idx.msk [tilespmem:v0+s13+$0x0], $0xffff;
	_ =	sdelay $0x1  }
0x9d: {  	v9 =	vor.u32 v9, v4;
	_ =	sdelay $0x1  }
0x9e: {  	v12 =	vsel vm0, v14, v13;
	v7 =	vsel vm0, v15, v17;
	v8 =	vsel vm0, v18, v20  }
0x9f: {  	v23 =	vcombine.low v7, v8;
	[tilespmem:$0x1F380] =	vst v1;
	v1 =	vcombine.low v11, v12  }
0xa0: {  	v14 =	vsel vm0, v17, v15;
	v15 =	vsel vm0, v20, v18  }
0xa1: {  	v10 =	vor.u32 v23, v4;
	[tilespmem:$0x1F730] =	vst v1;
	v18 =	vor.u32 v1, v4;
	v1 =	vld.idx.msk [tilespmem:v9+s14+$0x0], $0xffff;
	_ =	sdelay $0x4  }
0xa2: {  	[tilespmem:$0x1F3D0] =	vst v1;
	v1 =	vld.idx.msk [tilespmem:v10+s13+$0x0], $0xffff  }
0xa3: {  	v0 =	vld.idx.msk [tilespmem:v0+s14+$0x0], $0xffff  }
0xa4: {  	v13 =	vor.u32 v21, v4;
	_ =	sdelay $0x2  }
0xa5: {  	[tilespmem:$0x1F690] =	vst v1;
	v1 =	vcombine.low v3, v2  }
0xa6: {  	[tilespmem:$0x1F390] =	vst v0;
	v0 =	vld.idx.msk [tilespmem:v9+s13+$0x0], $0xffff  }
0xa7: {  	[tilespmem:$0x1F770] =	vst v1;
	v9 =	vor.u32 v1, v4;
	v1 =	vld.idx.msk [tilespmem:v13+s14+$0x0], $0xffff;
	_ =	sdelay $0x4  }
0xa8: {  	[tilespmem:$0x1F3B0] =	vst v1;
	v1 =	vld.idx.msk [tilespmem:v18+s13+$0x0], $0xffff;
	_ =	sdelay $0x2  }
0xa9: {  	[tilespmem:$0x1F3C0] =	vst v0;
	v0 =	vcombine.low v14, v15;
	_ =	sdelay $0x1  }
0xaa: {  	v3 =	vor.u32 v0, v4;
	[tilespmem:$0x1F400] =	vst v1;
	v1 =	vld.idx.msk [tilespmem:v18+s14+$0x0], $0xffff;
	_ =	sdelay $0x1  }
0xab: {  	[tilespmem:$0x1F750] =	vst v0;
	v0 =	vld.idx.msk [tilespmem:v10+s14+$0x0], $0xffff;
	_ =	sdelay $0x2  }
0xac: {  	[tilespmem:$0x1F410] =	vst v1;
	v1 =	vld.idx.msk [tilespmem:v3+s13+$0x0], $0xffff;
	_ =	sdelay $0x1  }
0xad: {  	[tilespmem:$0x1F6A0] =	vst v0;
	v0 =	vld.idx.msk [tilespmem:v13+s13+$0x0], $0xffff;
	_ =	sdelay $0x2  }
0xae: {  	[tilespmem:$0x1F650] =	vst v1;
	v1 =	vld.idx.msk [tilespmem:v9+s13+$0x0], $0xffff;
	_ =	sdelay $0x1  }
0xaf: {  	[tilespmem:$0x1F3A0] =	vst v0;
	v0 =	vcombine.low v6, v5;
	_ =	sdelay $0x1  }
0xb0: {  	[tilespmem:$0x1F790] =	vst v0  }
0xb1: {  	v10 =	vor.u32 v0, v4;
	v0 =	vcombine.low v8, v7;
	[tilespmem:$0x1F3E0] =	vst v1;
	v1 =	vld.idx.msk [tilespmem:v9+s14+$0x0], $0xffff;
	_ =	sdelay $0x1  }
0xb2: {  	[tilespmem:$0x1F7B0] =	vst v0;
	v8 =	vor.u32 v0, v4;
	v0 =	vld.idx.msk [tilespmem:v3+s14+$0x0], $0xffff;
	_ =	sdelay $0x1  }
0xb3: {  	[tilespmem:$0x1F710] =	vst v21;
	v21 =	vld [tilespmem:$0x1FCB0]  }
0xb4: {  	[tilespmem:$0x1F3F0] =	vst v1;
	v1 =	vld.idx.msk [tilespmem:v10+s13+$0x0], $0xffff  }
0xb5: {  	v20 =	vld [tilespmem:$0x1FC90]  }
0xb6: {  	v17 =	vld [tilespmem:$0x1FC30];
	[tilespmem:$0x1F660] =	vst v0;
	v0 =	vor.u32 $0x30, v19  }
0xb7: {  	v18 =	vld [tilespmem:$0x1FCA0];
	v3 =	vor.u32 v0, v4  }
0xb8: {  	v19 =	vld [tilespmem:$0x1FC80];
	[tilespmem:$0x1F7D0] =	vst v0  }
0xb9: {  	v0 =	vcombine.low v12, v11;
	[tilespmem:$0x1F430] =	vst v1;
	v1 =	vld.idx.msk [tilespmem:v10+s14+$0x0], $0xffff  }
0xba: {  	v2 =	vld [tilespmem:$0x1FBE0]  }
0xbb: {  	v5 =	vld [tilespmem:$0x1FBF0];
	[tilespmem:$0x1F7E0] =	vst v0;
	v9 =	vor.u32 v0, v4;
	v0 =	vcombine.low v15, v14  }
0xbc: {  	v13 =	vsel vm0, v21, v18;
	v7 =	vld.idx.msk [tilespmem:v3+s13+$0x0], $0xffff  }
0xbd: {  	v12 =	vsel vm0, v20, v19;
	[tilespmem:$0x1F800] =	vst v0;
	v10 =	vor.u32 v0, v4;
	v0 =	vld.idx.msk [tilespmem:v8+s14+$0x0], $0xffff  }
0xbe: {  	v6 =	vcombine.low v12, v13;
	[tilespmem:$0x1F440] =	vst v1;
	v1 =	vld.idx.msk [tilespmem:v8+s13+$0x0], $0xffff  }
0xbf: {  	v30 =	vld.idx.msk [tilespmem:v3+s14+$0x0], $0xffff  }
0xc0: {  	[tilespmem:$0x1F830] =	vst v6;
	v11 =	vor.u32 v6, v4;
	v6 =	vld [tilespmem:$0x1FC00]  }
0xc1: {  	[tilespmem:$0x1F420] =	vst v7;
	v7 =	vld [tilespmem:$0x1FC10]  }
0xc2: {  	[tilespmem:$0x1F620] =	vst v0;
	v0 =	vld [tilespmem:$0x1FBC0]  }
0xc3: {  	[tilespmem:$0x1F610] =	vst v1;
	v1 =	vld [tilespmem:$0x1FBD0]  }
0xc4: {  	v3 =	vld.idx.msk [tilespmem:v9+s13+$0x0], $0xffff  }
0xc5: {  	v8 =	vld [tilespmem:$0x1FC20];
	_ =	sdelay $0x2  }
0xc6: {  	v19 =	vsel vm0, v19, v20;
	v15 =	vsel vm0, v2, v5;
	v20 =	vld.idx.msk [tilespmem:v10+s13+$0x0], $0xffff;
	v14 =	vsel vm0, v0, v1  }
0xc7: {  	v22 =	vcombine.low v14, v15  }
0xc8: {  	v45 =	vsel vm0, v6, v7;
	[tilespmem:$0x1F450] =	vst v3;
	v46 =	vsel vm0, v8, v17  }
0xc9: {  	[tilespmem:$0x1F850] =	vst v22;
	v3 =	vor.u32 v22, v4;
	v22 =	vcombine.low v45, v46  }
0xca: {  	v18 =	vsel vm0, v18, v21  }
0xcb: {  	[tilespmem:$0x1F5D0] =	vst v20;
	v20 =	vcombine.low v19, v18;
	v18 =	vor.u32 v22, v4  }
0xcc: {  	v25 =	vsel vm0, v5, v2;
	v19 =	vsel vm0, v1, v0  }
0xcd: {  	v0 =	vcombine.low v19, v25  }
0xce: {  	v36 =	vsel vm0, v7, v6;
	v37 =	vsel vm0, v17, v8;
	v27 =	vld.idx.msk [tilespmem:v3+s13+$0x0], $0xffff  }
0xcf: {  	[tilespmem:$0x1F8E0] =	vst v0;
	v44 =	vor.u32 v0, v4;
	v0 =	vcombine.low v36, v37;
	v41 =	vld.idx.msk [tilespmem:v3+s14+$0x0], $0xffff  }
0xd0: {  	v1 =	vld.idx.msk [tilespmem:v18+s13+$0x0], $0xffff  }
0xd1: {  	[tilespmem:$0x1F910] =	vst v0;
	v3 =	vor.u32 v0, v4;
	v0 =	vld.idx.msk [tilespmem:v18+s14+$0x0], $0xffff;
	_ =	sdelay $0x3  }
0xd2: {  	v9 =	vld.idx.msk [tilespmem:v9+s14+$0x0], $0xffff;
	[tilespmem:$0x1F5A0] =	vst v1  }
0xd3: {  	v1 =	vcombine.low v13, v12;
	[tilespmem:$0x1F5B0] =	vst v0;
	v0 =	vcombine.low v15, v14;
	_ =	sdelay $0x1  }
0xd4: {  	v18 =	vor.u32 v1, v4;
	[tilespmem:$0x1F950] =	vst v0;
	v15 =	vor.u32 v0, v4;
	v0 =	vld.idx.msk [tilespmem:v3+s13+$0x0], $0xffff;
	_ =	sdelay $0x1  }
0xd5: {  	[tilespmem:$0x1F460] =	vst v9;
	v9 =	vlaneseq.u32  }
0xd6: {  	v2 =	vld.idx.msk [tilespmem:v3+s14+$0x0], $0xffff;
	[tilespmem:$0x1F940] =	vst v1;
	v1 =	vor.u32 $0x20, v9  }
0xd7: {  	[tilespmem:$0x1F9A0] =	vst v1;
	v3 =	vor.u32 v1, v4;
	v1 =	vld [tilespmem:$0x1FEE0]  }
0xd8: {  	[tilespmem:$0x1F580] =	vst v0;
	v0 =	vcombine.low v25, v19;
	v48 =	vld.idx.msk [tilespmem:v18+s13+$0x0], $0xffff  }
0xd9: {  	v49 =	vld.idx.msk [tilespmem:v18+s14+$0x0], $0xffff  }
0xda: {  	[tilespmem:$0x1F9B0] =	vst v0;
	v18 =	vor.u32 v0, v4;
	v0 =	vld [tilespmem:$0x1FED0];
	_ =	sdelay $0x4  }
0xdb: {  	v0 =	vcombine.low v0, v1  }
0xdc: {  	v1 =	vld [tilespmem:$0x1FF10]  }
0xdd: {  	[tilespmem:$0x1F9F0] =	vst v0;
	v19 =	vor.u32 v0, v4;
	v0 =	vld [tilespmem:$0x1FF00];
	_ =	sdelay $0x3  }
0xde: {  	v54 =	vld.idx.msk [tilespmem:v18+s13+$0x0], $0xffff  }
0xdf: {  	v55 =	vld.idx.msk [tilespmem:v18+s14+$0x0], $0xffff;
	v0 =	vcombine.low v0, v1  }
0xe0: {  	v1 =	vld [tilespmem:$0x1FF30]  }
0xe1: {  	[tilespmem:$0x1FA00] =	vst v0;
	v18 =	vor.u32 v0, v4;
	v0 =	vld [tilespmem:$0x1FF20];
	_ =	sdelay $0x2  }
0xe2: {  	[tilespmem:$0x1F590] =	vst v2;
	v2 =	vcombine.low v37, v36;
	v50 =	vld.idx.msk [tilespmem:v15+s13+$0x0], $0xffff  }
0xe3: {  	v51 =	vld.idx.msk [tilespmem:v15+s14+$0x0], $0xffff  }
0xe4: {  	[tilespmem:$0x1F9E0] =	vst v2;
	v15 =	vor.u32 v2, v4;
	v2 =	vcombine.low v0, v1;
	v0 =	vld [tilespmem:$0x1FE80]  }
0xe5: {  	v1 =	vld [tilespmem:$0x1FE90];
	_ =	sdelay $0x3  }
0xe6: {  	v26 =	vor.u32 v20, v4  }
0xe7: {  	v25 =	vsel vm0, v0, v1;
	v0 =	vld [tilespmem:$0x1FE60]  }
0xe8: {  	v1 =	vld [tilespmem:$0x1FE70];
	_ =	sdelay $0x2  }
0xe9: {  	v43 =	vld.idx.msk [tilespmem:v26+s13+$0x0], $0xffff  }
0xea: {  	v47 =	vld.idx.msk [tilespmem:v26+s14+$0x0], $0xffff  }
0xeb: {  	v26 =	vsel vm0, v0, v1;
	v0 =	vld.idx.msk [tilespmem:v15+s13+$0x0], $0xffff  }
0xec: {  	v1 =	vld.idx.msk [tilespmem:v15+s14+$0x0], $0xffff;
	_ =	sdelay $0x3  }
0xed: {  	[tilespmem:$0x1F540] =	vst v0;
	v0 =	vcombine.low v26, v25  }
0xee: {  	[tilespmem:$0x1F550] =	vst v1;
	v1 =	vld [tilespmem:$0x1FDD0]  }
0xef: {  	[tilespmem:$0x1FA40] =	vst v0;
	v26 =	vor.u32 v0, v4;
	v0 =	vld [tilespmem:$0x1FDC0];
	_ =	sdelay $0x4  }
0xf0: {  	v0 =	vcombine.low v0, v1  }
0xf1: {  	v1 =	vld [tilespmem:$0x1FE00]  }
0xf2: {  	[tilespmem:$0x1FA50] =	vst v0;
	v36 =	vor.u32 v0, v4;
	v0 =	vld [tilespmem:$0x1FDF0];
	_ =	sdelay $0x4  }
0xf3: {  	v0 =	vcombine.low v0, v1;
	_ =	sdelay $0x1  }
0xf4: {  	v34 =	vor.u32 v0, v4;
	_ =	sdelay $0x2  }
0xf5: {  	v25 =	vor.u32 v2, v4;
	_ =	sdelay $0x1  }
0xf6: {  	[tilespmem:$0x1FA80] =	vst v0;
	v0 =	vld.idx.msk [tilespmem:v34+s13+$0x0], $0xffff;
	_ =	sdelay $0x2  }
0xf7: {  	v1 =	vld.idx.msk [tilespmem:v25+s13+$0x0], $0xffff;
	_ =	sdelay $0x1  }
0xf8: {  	[tilespmem:$0x1F4E0] =	vst v0;
	v0 =	vld.idx.msk [tilespmem:v34+s14+$0x0], $0xffff  }
0xf9: {  	v35 =	vld.idx.msk [tilespmem:v11+s13+$0x0], $0xffff  }
0xfa: {  	v40 =	vld.idx.msk [tilespmem:v11+s14+$0x0], $0xffff  }
0xfb: {  	[tilespmem:$0x1F510] =	vst v1;
	v1 =	vld.idx.msk [tilespmem:v25+s14+$0x0], $0xffff  }
0xfc: {  	v6 =	vld [tilespmem:$0x1FD40]  }
0xfd: {  	[tilespmem:$0x1F4F0] =	vst v0;
	v0 =	vld [tilespmem:$0x1FEF0]  }
0xfe: {  	v7 =	vld [tilespmem:$0x1FD50]  }
0xff: {  	v10 =	vld.idx.msk [tilespmem:v10+s14+$0x0], $0xffff  }
0x100: {  	[tilespmem:$0x1F520] =	vst v1;
	v1 =	vld [tilespmem:$0x1FE10]  }
0x101: {  	v8 =	vld [tilespmem:$0x1FD60]  }
0x102: {  	[tilespmem:$0x1F880] =	vst v22;
	v34 =	vor.u32 v0, v4;
	v0 =	vld [tilespmem:$0x1FDE0]  }
0x103: {  	v22 =	vld [tilespmem:$0x1FD70];
	[tilespmem:$0x1FA30] =	vst v2;
	v2 =	vor.u32 v16, v4  }
0x104: {  	v9 =	vcombine.low v46, v45;
	v45 =	vld [tilespmem:$0x1FC70]  }
0x105: {  	v52 =	vld.idx.msk [tilespmem:v3+s13+$0x0], $0xffff;
	v1 =	vor.u32 v1, v4  }
0x106: {  	v53 =	vld.idx.msk [tilespmem:v3+s14+$0x0], $0xffff  }
0x107: {  	v56 =	vld.idx.msk [tilespmem:v19+s13+$0x0], $0xffff;
	v0 =	vor.u32 v0, v4  }
0x108: {  	v16 =	vld.idx.msk [tilespmem:v2+s13+$0x0], $0xffff  }
0x109: {  	v14 =	vld.idx.msk [tilespmem:v2+s14+$0x0], $0xffff  }
0x10a: {  	v3 =	vld.idx.msk [tilespmem:v1+s13+$0x0], $0xffff  }
0x10b: {  	v1 =	vld.idx.msk [tilespmem:v1+s14+$0x0], $0xffff  }
0x10c: {  	v25 =	vld.idx.msk [tilespmem:v0+s13+$0x0], $0xffff  }
0x10d: {  	[tilespmem:$0x1F700] =	vst v23;
	v23 =	vld.idx.msk [tilespmem:v0+s14+$0x0], $0xffff;
	v0 =	vor.u32 v32, v4  }
0x10e: {  	v2 =	vld [tilespmem:$0x1FB80]  }
0x10f: {  	v57 =	vld.idx.msk [tilespmem:v19+s14+$0x0], $0xffff  }
0x110: {  	v58 =	vld.idx.msk [tilespmem:v18+s13+$0x0], $0xffff  }
0x111: {  	[tilespmem:$0x1F4B0] =	vst v1;
	v1 =	vld [tilespmem:$0x1FBB0]  }
0x112: {  	v19 =	vld.idx.msk [tilespmem:v0+s13+$0x0], $0xffff  }
0x113: {  	v2 =	vor.u32 v2, v4;
	v15 =	vld.idx.msk [tilespmem:v0+s14+$0x0], $0xffff  }
0x114: {  	v0 =	vld [tilespmem:$0x1FB90]  }
0x115: {  	v59 =	vld.idx.msk [tilespmem:v18+s14+$0x0], $0xffff  }
0x116: {  	v63 =	vld.idx.msk [tilespmem:v36+s13+$0x0], $0xffff  }
0x117: {  	v62 =	vor.u32 v24, v4;
	v24 =	vld.idx.msk [tilespmem:v36+s14+$0x0], $0xffff  }
0x118: {  	v11 =	vld.idx.msk [tilespmem:v2+s13+$0x0], $0xffff;
	v1 =	vor.u32 v1, v4  }
0x119: {  	[tilespmem:$0x1F4A0] =	vst v3;
	v3 =	vor.u32 v0, v4;
	v0 =	vld [tilespmem:$0x1FBA0]  }
0x11a: {  	[tilespmem:$0x1F5E0] =	vst v10;
	v10 =	vld.idx.msk [tilespmem:v2+s14+$0x0], $0xffff  }
0x11b: {  	v18 =	vld.idx.msk [tilespmem:v34+s13+$0x0], $0xffff  }
0x11c: {  	v37 =	vld.idx.msk [tilespmem:v34+s14+$0x0], $0xffff  }
0x11d: {  	v36 =	vor.u32 v29, v4;
	v2 =	vor.u32 v33, v4;
	v39 =	vld.idx.msk [tilespmem:v1+s13+$0x0], $0xffff  }
0x11e: {  	v38 =	vld.idx.msk [tilespmem:v1+s14+$0x0], $0xffff;
	v1 =	vsel vm0, v7, v6;
	v5 =	vor.u32 v0, v4;
	v0 =	vsel vm0, v22, v8  }
0x11f: {  	v34 =	vcombine.low v1, v0;
	v29 =	vcombine.low v0, v1;
	v0 =	vsel vm0, v6, v7;
	v6 =	vld [tilespmem:$0x1FC50]  }
0x120: {  	v1 =	vsel vm0, v8, v22;
	v7 =	vld [tilespmem:$0x1FC60]  }
0x121: {  	v33 =	vcombine.low v1, v0;
	v0 =	vld [tilespmem:$0x1FC40]  }
0x122: {  	v8 =	vld.idx.msk [tilespmem:v2+s13+$0x0], $0xffff  }
0x123: {  	v32 =	vld.idx.msk [tilespmem:v5+s13+$0x0], $0xffff  }
0x124: {  	v22 =	vld.idx.msk [tilespmem:v5+s14+$0x0], $0xffff  }
0x125: {  	v5 =	vsel vm0, v7, v45;
	v45 =	vsel vm0, v45, v7;
	v7 =	vld.idx.msk [tilespmem:v2+s14+$0x0], $0xffff  }
0x126: {  	v2 =	vld [tilespmem:$0x1FE30];
	v1 =	vsel vm0, v0, v6  }
0x127: {  	v21 =	vcombine.low v5, v1;
	v1 =	vsel vm0, v6, v0;
	v0 =	vld [tilespmem:$0x1FE20];
	_ =	sdelay $0x3  }
0x128: {  	v5 =	vld [tilespmem:$0x1FE50]  }
0x129: {  	v2 =	vsel vm0, v0, v2;
	v0 =	vld [tilespmem:$0x1FE40];
	_ =	sdelay $0x3  }
0x12a: {  	v13 =	vlaneseq.u32  }
0x12b: {  	[tilespmem:$0x1F8B0] =	vst v20;
	v20 =	vcombine.low v1, v45;
	v17 =	vcombine.low v45, v1;
	v1 =	vld [tilespmem:$0x1F380];
	v46 =	vsel vm0, v0, v5  }
0x12c: {  	v0 =	vor.u32 v13, v4;
	v13 =	vcombine.low v46, v2;
	v2 =	vld [tilespmem:$0x1F390];
	_ =	sdelay $0x1  }
0x12d: {  	v12 =	vld.idx.msk [tilespmem:v3+s13+$0x0], $0xffff  }
0x12e: {  	[tilespmem:$0x1F4C0] =	vst v9;
	v9 =	vld.idx.msk [tilespmem:v3+s14+$0x0], $0xffff  }
0x12f: {  	v3 =	vor.u32 v31, v4;
	v31 =	vld [tilespmem:$0x1F3B0]  }
0x130: {  	v1 =	vmul.f32 v2, v1;
	v2 =	vld [tilespmem:$0x1F3A0];
	_ =	sdelay $0x4  }
0x131: {  	v2 =	vmul.f32 v31, v2  }
0x132: {  	v31 =	vld [tilespmem:$0x1F3D0]  }
0x133: {  	[tilespmem:$0x1F6B0] =	vst v2;
	v2 =	vld [tilespmem:$0x1F3C0];
	_ =	sdelay $0x3  }
0x134: {  	v45 =	vld [tilespmem:$0x1F3F0]  }
0x135: {  	v2 =	vmul.f32 v31, v2;
	v31 =	vld [tilespmem:$0x1F3E0];
	_ =	sdelay $0x4  }
0x136: {  	v31 =	vmul.f32 v45, v31  }
0x137: {  	v45 =	vld [tilespmem:$0x1F410]  }
0x138: {  	[tilespmem:$0x1F670] =	vst v31;
	v31 =	vld [tilespmem:$0x1F400];
	_ =	sdelay $0x4  }
0x139: {  	v31 =	vmul.f32 v45, v31;
	v45 =	vld [tilespmem:$0x1F420]  }
0x13a: {  	v28 =	vld.idx.msk [tilespmem:v62+s13+$0x0], $0xffff  }
0x13b: {  	v62 =	vld.idx.msk [tilespmem:v62+s14+$0x0], $0xffff  }
0x13c: {  	v42 =	vld.idx.msk [tilespmem:v44+s13+$0x0], $0xffff  }
0x13d: {  	v44 =	vld.idx.msk [tilespmem:v44+s14+$0x0], $0xffff  }
0x13e: {  	v60 =	vld.idx.msk [tilespmem:v26+s13+$0x0], $0xffff;
	v30 =	vmul.f32 v30, v45  }
0x13f: {  	v45 =	vld [tilespmem:$0x1F440]  }
0x140: {  	[tilespmem:$0x1F630] =	vst v30;
	v30 =	vld [tilespmem:$0x1F430]  }
0x141: {  	v61 =	vld.idx.msk [tilespmem:v26+s14+$0x0], $0xffff  }
0x142: {  	v26 =	vld.idx.msk [tilespmem:v36+s13+$0x0], $0xffff  }
0x143: {  	v46 =	vld [tilespmem:$0x1F460]  }
0x144: {  	v35 =	vmul.f32 v40, v35;
	v40 =	vld.idx.msk [tilespmem:v0+s14+$0x0], $0xffff  }
0x145: {  	[tilespmem:$0x1F6D0] =	vst v1;
	v1 =	vld [tilespmem:$0x1FB50];
	v30 =	vmul.f32 v45, v30  }
0x146: {  	v45 =	vld [tilespmem:$0x1F450]  }
0x147: {  	[tilespmem:$0x1F640] =	vst v30;
	v30 =	vld.idx.msk [tilespmem:v0+s13+$0x0], $0xffff  }
0x148: {  	v0 =	vld [tilespmem:$0x1FF50]  }
0x149: {  	v36 =	vld.idx.msk [tilespmem:v36+s14+$0x0], $0xffff  }
0x14a: {  	[tilespmem:$0x1F5F0] =	vst v35;
	v6 =	vld.idx.msk [tilespmem:v3+s13+$0x0], $0xffff  }
0x14b: {  	v5 =	vld [tilespmem:s26+$0x0];
	[tilespmem:$0x1F6C0] =	vst v2;
	v35 =	vmul.f32 v46, v45  }
0x14c: {  	v1 =	vor.u32 v1, v4;
	v2 =	vld [tilespmem:s31+$0x0];
	[tilespmem:$0x1F680] =	vst v31  }
0x14d: {  	v31 =	vld [tilespmem:$0x1FB60];
	[tilespmem:$0x1F600] =	vst v35;
	v35 =	vor.u32 v0, v4;
	v0 =	vmul.f32 v41, v27  }
0x14e: {  	v45 =	vld [tilespmem:$0x1FB70]  }
0x14f: {  	[tilespmem:$0x1F5C0] =	vst v0;
	v0 =	vld [tilespmem:$0x1F470]  }
0x150: {  	v3 =	vld.idx.msk [tilespmem:v3+s14+$0x0], $0xffff  }
0x151: {  	v46 =	vmul.f32 v47, v43;
	v43 =	vld.idx.msk [tilespmem:v1+s14+$0x0], $0xffff  }
0x152: {  	v5 =	vand.u32 $0x7, v5;
	v31 =	vor.u32 v31, v4;
	v41 =	vld.idx.msk [tilespmem:v1+s13+$0x0], $0xffff;
	v1 =	vmul.f32 v49, v48  }
0x153: {  	v2 =	vand.u32 $0x7, v2;
	v49 =	vmul.f32 v57, v56;
	v57 =	vmul.f32 v59, v58;
	v59 =	vld [tilespmem:$0x1FF60]  }
0x154: {  	v58 =	vmul.f32 v61, v60;
	v61 =	vld [tilespmem:$0x1FF70];
	v47 =	vor.u32 v45, v4;
	v27 =	vshll.u32 v0, $0x3  }
0x155: {  	v60 =	vmul.f32 v62, v28;
	v62 =	vmul.f32 v15, v19;
	v15 =	vld [tilespmem:$0x1FF80];
	v5 =	vor.u32 v27, v5  }
0x156: {  	v19 =	vld [tilespmem:$0x1FF90];
	v27 =	vor.u32 v27, v2  }
0x157: {  	v2 =	vmul.f32 v44, v42;
	v42 =	vld.idx.msk [tilespmem:v31+s13+$0x0], $0xffff  }
0x158: {  	v31 =	vld.idx.msk [tilespmem:v31+s14+$0x0], $0xffff  }
0x159: {  	v14 =	vmul.f32 v14, v16;
	v16 =	vld.idx.msk [tilespmem:v47+s13+$0x0], $0xffff  }
0x15a: {  	v3 =	vmul.f32 v3, v6;
	v15 =	vor.u32 v15, v4;
	v5 =	vld.idx.msk [tilespmem:v5+s16+$0x0], $0xffff  }
0x15b: {  	v6 =	vmul.f32 v43, v41;
	v44 =	vmul.f32 v53, v52;
	v53 =	vor.u32 v59, v4;
	v27 =	vld.idx.msk [tilespmem:v27+s18+$0x0], $0xffff  }
0x15c: {  	v10 =	vmul.f32 v10, v11;
	v11 =	vld.idx.msk [tilespmem:v47+s14+$0x0], $0xffff  }
0x15d: {  	v0 =	vmul.f32 v51, v50;
	v50 =	vld.idx.msk [tilespmem:v35+s13+$0x0], $0xffff;
	v6 =	vadd.f32 $0.0e+00, v6  }
0x15e: {  	v7 =	vmul.f32 v7, v8;
	v35 =	vld.idx.msk [tilespmem:v35+s14+$0x0], $0xffff  }
0x15f: {  	v28 =	vmul.f32 v36, v26;
	v3 =	vadd.f32 v3, v6;
	v6 =	vld.idx.msk [tilespmem:v15+s14+$0x0], $0xffff;
	v31 =	vmul.f32 v31, v42  }
0x160: {  	v36 =	vor.u32 v61, v4;
	v8 =	vld.idx.msk [tilespmem:v53+s13+$0x0], $0xffff;
	v5 =	vadd.f32 v27, v5;
	v27 =	vmul.f32 v40, v30  }
0x161: {  	v11 =	vmul.f32 v11, v16;
	v16 =	vadd.f32 $0.0e+00, v31;
	v31 =	vld [tilespmem:$0x1FEC0]  }
0x162: {  	v5 =	vadd.f32 v27, v5;
	v27 =	vld.idx.msk [tilespmem:v15+s13+$0x0], $0xffff  }
0x163: {  	v15 =	vld [tilespmem:$0x1FEB0]  }
0x164: {  	v9 =	vmul.f32 v9, v12;
	v19 =	vor.u32 v19, v4;
	v12 =	vld.idx.msk [tilespmem:v53+s14+$0x0], $0xffff  }
0x165: {  	v30 =	vld.idx.msk [tilespmem:v36+s13+$0x0], $0xffff  }
0x166: {  	v22 =	vmul.f32 v22, v32;
	v26 =	vmul.f32 v23, v25;
	v11 =	vadd.f32 v11, v16;
	v40 =	vld [tilespmem:$0x1FF40]  }
0x167: {  	v25 =	vmul.f32 v38, v39;
	v3 =	vadd.f32 v9, v3;
	v35 =	vmul.f32 v35, v50;
	v36 =	vld.idx.msk [tilespmem:v36+s14+$0x0], $0xffff  }
0x168: {  	v9 =	vadd.f32 v22, v11;
	v41 =	vcombine.low v15, v31;
	v15 =	vor.u32 v13, v4  }
0x169: {  	v24 =	vmul.f32 v24, v63;
	v16 =	vld.idx.msk [tilespmem:v19+s13+$0x0], $0xffff  }
0x16a: {  	v8 =	vmul.f32 v12, v8;
	v12 =	vadd.f32 $0.0e+00, v35;
	v9 =	vadd.f32 v25, v9;
	v25 =	vld [tilespmem:$0x1F4C0]  }
0x16b: {  	[tilespmem:$0x1F490] =	vst v17;
	v5 =	vadd.f32 v7, v5;
	v7 =	vld.idx.msk [tilespmem:v19+s14+$0x0], $0xffff;
	v63 =	vor.u32 v40, v4  }
0x16c: {  	[tilespmem:$0x1F480] =	vst v13;
	v8 =	vadd.f32 v8, v12;
	v12 =	vmul.f32 v36, v30;
	v13 =	vor.u32 v17, v4;
	v17 =	vld [tilespmem:$0x1F4B0]  }
0x16d: {  	v5 =	vadd.f32 v10, v5;
	v10 =	vld.idx.msk [tilespmem:v15+s13+$0x0], $0xffff  }
0x16e: {  	v8 =	vadd.f32 v12, v8;
	v12 =	vld.idx.msk [tilespmem:v15+s14+$0x0], $0xffff  }
0x16f: {  	v15 =	vld [tilespmem:$0x1F4A0]  }
0x170: {  	v18 =	vmul.f32 v37, v18;
	v5 =	vadd.f32 v14, v5;
	v23 =	vld.idx.msk [tilespmem:v63+s13+$0x0], $0xffff  }
0x171: {  	v19 =	vor.u32 v41, v4;
	v11 =	vld.idx.msk [tilespmem:v63+s14+$0x0], $0xffff  }
0x172: {  	v5 =	vadd.f32 v18, v5;
	v18 =	vld [tilespmem:$0x1F4F0]  }
0x173: {  	v6 =	vmul.f32 v6, v27;
	v10 =	vmul.f32 v12, v10;
	v12 =	vld [tilespmem:$0x1F4E0]  }
0x174: {  	v7 =	vmul.f32 v7, v16;
	v16 =	vor.u32 v25, v4;
	v15 =	vmul.f32 v17, v15  }
0x175: {  	v30 =	vld [tilespmem:$0x1FEA0];
	v6 =	vadd.f32 v6, v8  }
0x176: {  	v14 =	vld.idx.msk [tilespmem:v19+s13+$0x0], $0xffff;
	v11 =	vmul.f32 v11, v23;
	v9 =	vadd.f32 v15, v9  }
0x177: {  	v6 =	vadd.f32 v7, v6;
	v8 =	vld.idx.msk [tilespmem:v19+s14+$0x0], $0xffff  }
0x178: {  	v19 =	vld [tilespmem:$0x1F520];
	v9 =	vadd.f32 v11, v9;
	v12 =	vmul.f32 v18, v12  }
0x179: {  	v6 =	vadd.f32 v10, v6;
	v10 =	vld.idx.msk [tilespmem:v16+s13+$0x0], $0xffff  }
0x17a: {  	v9 =	vadd.f32 v12, v9;
	v12 =	vld.idx.msk [tilespmem:v16+s14+$0x0], $0xffff  }
0x17b: {  	v16 =	vld [tilespmem:$0x1F510];
	_ =	sdelay $0x2  }
0x17c: {  	v3 =	vadd.f32 v62, v3  }
0x17d: {  	v42 =	vadd.s32 $0x1F, v30  }
0x17e: {  	v3 =	vadd.f32 v26, v3;
	v22 =	vor.u32 v42, v4;
	v16 =	vmul.f32 v19, v16  }
0x17f: {  	v19 =	vld [tilespmem:$0x1F550]  }
0x180: {  	v3 =	vadd.f32 v28, v3;
	v9 =	vadd.f32 v16, v9;
	v16 =	vld [tilespmem:$0x1F540];
	_ =	sdelay $0x1  }
0x181: {  	v3 =	vadd.f32 v24, v3  }
0x182: {  	v7 =	vld.idx.msk [tilespmem:v22+s14+$0x0], $0xffff  }
0x183: {  	v48 =	vmul.f32 v55, v54;
	v3 =	vadd.f32 v57, v3;
	v15 =	vld.idx.msk [tilespmem:v22+s13+$0x0], $0xffff  }
0x184: {  	v17 =	vor.u32 v21, v4;
	v11 =	vld.idx.msk [tilespmem:v13+s13+$0x0], $0xffff;
	v16 =	vmul.f32 v19, v16  }
0x185: {  	v3 =	vadd.f32 v48, v3;
	v37 =	vadd.s32 $0x2F, v30;
	v8 =	vmul.f32 v8, v14;
	v13 =	vld.idx.msk [tilespmem:v13+s14+$0x0], $0xffff  }
0x186: {  	v18 =	vor.u32 v20, v4;
	v10 =	vmul.f32 v12, v10;
	v9 =	vadd.f32 v16, v9  }
0x187: {  	v3 =	vadd.f32 v0, v3;
	v0 =	vld [tilespmem:$0x1F580];
	v14 =	vor.u32 v37, v4  }
0x188: {  	v6 =	vadd.f32 v8, v6;
	v7 =	vmul.f32 v7, v15;
	v9 =	vadd.f32 v10, v9;
	v10 =	vld [tilespmem:$0x1F590]  }
0x189: {  	v8 =	vld.idx.msk [tilespmem:v17+s13+$0x0], $0xffff  }
0x18a: {  	v15 =	vld.idx.msk [tilespmem:v17+s14+$0x0], $0xffff;
	v6 =	vadd.f32 v7, v6;
	v7 =	vmul.f32 v13, v11  }
0x18b: {  	v5 =	vadd.f32 v60, v5;
	v11 =	vld.idx.msk [tilespmem:v18+s14+$0x0], $0xffff  }
0x18c: {  	v6 =	vadd.f32 v7, v6;
	v7 =	vld.idx.msk [tilespmem:v14+s14+$0x0], $0xffff  }
0x18d: {  	v5 =	vadd.f32 v58, v5;
	v19 =	vld.idx.msk [tilespmem:v18+s13+$0x0], $0xffff;
	v10 =	vmul.f32 v10, v0  }
0x18e: {  	v2 =	vadd.f32 v2, v3;
	v0 =	vld [tilespmem:$0x1F5A0]  }
0x18f: {  	v5 =	vadd.f32 v49, v5;
	v3 =	vadd.f32 v10, v9;
	v9 =	vld [tilespmem:$0x1F5B0]  }
0x190: {  	v12 =	vld.idx.msk [tilespmem:v14+s13+$0x0], $0xffff  }
0x191: {  	v5 =	vadd.f32 v44, v5;
	v8 =	vmul.f32 v15, v8  }
0x192: {  	v17 =	vor.u32 v29, v4  }
0x193: {  	v1 =	vadd.f32 v1, v5;
	v5 =	vadd.f32 v8, v6;
	v6 =	vmul.f32 v11, v19  }
0x194: {  	v9 =	vmul.f32 v9, v0  }
0x195: {  	v0 =	vadd.f32 v46, v1;
	v1 =	vadd.f32 v6, v5;
	v5 =	vmul.f32 v7, v12;
	v7 =	vld [tilespmem:$0x1F5C0];
	_ =	sdelay $0x1  }
0x196: {  	v13 =	vor.u32 v33, v4;
	v15 =	vld.idx.msk [tilespmem:v17+s13+$0x0], $0xffff  }
0x197: {  	v16 =	vld.idx.msk [tilespmem:v17+s14+$0x0], $0xffff  }
0x198: {  	v3 =	vadd.f32 v9, v3;
	v9 =	vld [tilespmem:$0x1F5E0]  }
0x199: {  	v2 =	vadd.f32 v7, v2;
	v7 =	vld [tilespmem:$0x1F5D0]  }
0x19a: {  	v12 =	vld [tilespmem:$0x1F600]  }
0x19b: {  	v8 =	vld.idx.msk [tilespmem:v13+s13+$0x0], $0xffff  }
0x19c: {  	v10 =	vld.idx.msk [tilespmem:v13+s14+$0x0], $0xffff  }
0x19d: {  	v14 =	vor.u32 v34, v4  }
0x19e: {  	v7 =	vmul.f32 v9, v7  }
0x19f: {  	v1 =	vadd.f32 v5, v1;
	v5 =	vmul.f32 v16, v15;
	v2 =	vadd.f32 v12, v2;
	v12 =	vld [tilespmem:$0x1F620]  }
0x1a0: {  	v3 =	vadd.f32 v7, v3;
	v7 =	vld [tilespmem:$0x1F610]  }
0x1a1: {  	v1 =	vadd.f32 v5, v1;
	v5 =	vmul.f32 v10, v8;
	v8 =	vld [tilespmem:$0x1F640]  }
0x1a2: {  	v6 =	vld.idx.msk [tilespmem:v14+s13+$0x0], $0xffff  }
0x1a3: {  	v9 =	vld.idx.msk [tilespmem:v14+s14+$0x0], $0xffff;
	_ =	sdelay $0x1  }
0x1a4: {  	v11 =	vld [tilespmem:$0x1F5F0];
	v7 =	vmul.f32 v12, v7  }
0x1a5: {  	v38 =	vadd.s32 $0x3F, v30;
	v2 =	vadd.f32 v8, v2;
	v8 =	vld [tilespmem:$0x1F660]  }
0x1a6: {  	v4 =	vor.u32 v38, v4;
	v3 =	vadd.f32 v7, v3;
	v7 =	vld [tilespmem:$0x1F650]  }
0x1a7: {  	v1 =	vadd.f32 v5, v1;
	v5 =	vmul.f32 v9, v6;
	v6 =	vld [tilespmem:$0x1F680];
	_ =	sdelay $0x3  }
0x1a8: {  	v0 =	vadd.f32 v11, v0;
	v11 =	vld.idx.msk [tilespmem:v4+s13+$0x0], $0xffff;
	v7 =	vmul.f32 v8, v7  }
0x1a9: {  	v2 =	vadd.f32 v6, v2;
	v6 =	vld [tilespmem:$0x1F690]  }
0x1aa: {  	v3 =	vadd.f32 v7, v3;
	v7 =	vld [tilespmem:$0x1F6A0]  }
0x1ab: {  	v12 =	vld [tilespmem:$0x1F630]  }
0x1ac: {  	v1 =	vadd.f32 v5, v1;
	v5 =	vld [tilespmem:$0x1F6C0]  }
0x1ad: {  	v8 =	vld [tilespmem:$0x1F670]  }
0x1ae: {  	v4 =	vld.idx.msk [tilespmem:v4+s14+$0x0], $0xffff  }
0x1af: {  	v6 =	vmul.f32 v7, v6;
	v7 =	vld [tilespmem:$0x1F6B0]  }
0x1b0: {  	v0 =	vadd.f32 v12, v0  }
0x1b1: {  	v5 =	vadd.f32 v5, v2;
	v2 =	vld [tilespmem:$0x1F6D0]  }
0x1b2: {  	v0 =	vadd.f32 v8, v0  }
0x1b3: {  	v4 =	vmul.f32 v4, v11  }
0x1b4: {  	v0 =	vadd.f32 v7, v0  }
0x1b5: {  	v1 =	vadd.f32 v4, v1  }
0x1b6: {  	v3 =	vadd.f32 v6, v3;
	v0 =	vadd.f32 v2, v0;
	_ =	sdelay $0x1  }
0x1b7: {  	v1 =	vadd.f32 v1, v3;
	v3 =	vld [tilespmem:$0x1F6E0];
	v0 =	vadd.f32 v5, v0;
	_ =	sdelay $0x1  }
0x1b8: {  	[tilespmem:$0x1F560] =	vst v33;
	s26 =	simm.s32 $0x10;
	v33 =	vlaneseq.u32;
	v0 =	vadd.f32 v1, v0;
	v1 =	vld [tilespmem:$0x1F6F0]  }
0x1b9: {  	v2 =	vor.u32 s26, v33  }
0x1ba: {  	v12 =	vshll.u32 v2, $0x6  }
0x1bb: {  	v3 =	vor.u32 v3, v12;
	_ =	sdelay $0x1  }
0x1bc: {  	s25 =	simm.s32 $0x12800;
	v1 =	vor.u32 v1, v12  }
0x1bd: {  	[tilespmem:s25+$0x0] =	vst v0;
	v0 =	vld [tilespmem:$0x1F700];
	_ =	sdelay $0x1  }
0x1be: {  	v13 =	vld.idx.msk [tilespmem:v3+s13+$0x0], $0xffff  }
0x1bf: {  	v23 =	vld.idx.msk [tilespmem:v3+s14+$0x0], $0xffff  }
0x1c0: {  	v3 =	vld.idx.msk [tilespmem:v1+s13+$0x0], $0xffff  }
0x1c1: {  	v0 =	vor.u32 v0, v12;
	_ =	sdelay $0x1  }
0x1c2: {  	v4 =	vld [tilespmem:$0x1F710]  }
0x1c3: {  	v43 =	vld.idx.msk [tilespmem:v1+s14+$0x0], $0xffff  }
0x1c4: {  	[tilespmem:$0x1F720] =	vst v3;
	v3 =	vld [tilespmem:$0x1F730]  }
0x1c5: {  	v1 =	vld.idx.msk [tilespmem:v0+s13+$0x0], $0xffff;
	_ =	sdelay $0x2  }
0x1c6: {  	v4 =	vor.u32 v4, v12  }
0x1c7: {  	v3 =	vor.u32 v3, v12  }
0x1c8: {  	[tilespmem:$0x1F740] =	vst v1;
	v1 =	vld [tilespmem:$0x1F750];
	_ =	sdelay $0x2  }
0x1c9: {  	v39 =	vld.idx.msk [tilespmem:v4+s13+$0x0], $0xffff  }
0x1ca: {  	v44 =	vld.idx.msk [tilespmem:v3+s13+$0x0], $0xffff  }
0x1cb: {  	v1 =	vor.u32 v1, v12;
	v3 =	vld.idx.msk [tilespmem:v3+s14+$0x0], $0xffff  }
0x1cc: {  	v4 =	vld.idx.msk [tilespmem:v4+s14+$0x0], $0xffff;
	_ =	sdelay $0x2  }
0x1cd: {  	v0 =	vld.idx.msk [tilespmem:v0+s14+$0x0], $0xffff  }
0x1ce: {  	[tilespmem:$0x1FB40] =	vst v3;
	v3 =	vld.idx.msk [tilespmem:v1+s13+$0x0], $0xffff  }
0x1cf: {  	[tilespmem:$0x1F780] =	vst v4;
	v4 =	vld [tilespmem:$0x1F790];
	_ =	sdelay $0x2  }
0x1d0: {  	[tilespmem:$0x1F760] =	vst v0;
	v0 =	vld [tilespmem:$0x1F770]  }
0x1d1: {  	[tilespmem:$0x1F7A0] =	vst v3;
	v3 =	vld [tilespmem:$0x1F7B0]  }
0x1d2: {  	v4 =	vor.u32 v4, v12;
	_ =	sdelay $0x1  }
0x1d3: {  	v1 =	vld.idx.msk [tilespmem:v1+s14+$0x0], $0xffff  }
0x1d4: {  	v0 =	vor.u32 v0, v12  }
0x1d5: {  	v3 =	vor.u32 v3, v12  }
0x1d6: {  	v27 =	vld.idx.msk [tilespmem:v4+s13+$0x0], $0xffff  }
0x1d7: {  	v48 =	vld.idx.msk [tilespmem:v4+s14+$0x0], $0xffff  }
0x1d8: {  	[tilespmem:$0x1F7C0] =	vst v1;
	v1 =	vld [tilespmem:$0x1F7D0]  }
0x1d9: {  	v46 =	vld.idx.msk [tilespmem:v0+s13+$0x0], $0xffff  }
0x1da: {  	v4 =	vld.idx.msk [tilespmem:v3+s13+$0x0], $0xffff  }
0x1db: {  	v49 =	vld.idx.msk [tilespmem:v0+s14+$0x0], $0xffff  }
0x1dc: {  	v0 =	vld [tilespmem:$0x1F7E0]  }
0x1dd: {  	v1 =	vor.u32 v1, v12;
	_ =	sdelay $0x1  }
0x1de: {  	[tilespmem:$0x1F7F0] =	vst v4;
	v4 =	vld [tilespmem:$0x1F800];
	_ =	sdelay $0x1  }
0x1df: {  	v0 =	vor.u32 v0, v12  }
0x1e0: {  	v54 =	vld.idx.msk [tilespmem:v1+s13+$0x0], $0xffff  }
0x1e1: {  	v1 =	vld.idx.msk [tilespmem:v1+s14+$0x0], $0xffff  }
0x1e2: {  	v3 =	vld.idx.msk [tilespmem:v3+s14+$0x0], $0xffff;
	v4 =	vor.u32 v4, v12;
	_ =	sdelay $0x1  }
0x1e3: {  	v51 =	vld.idx.msk [tilespmem:v0+s13+$0x0], $0xffff  }
0x1e4: {  	v0 =	vld.idx.msk [tilespmem:v0+s14+$0x0], $0xffff  }
0x1e5: {  	[tilespmem:$0x1F820] =	vst v1;
	v1 =	vld [tilespmem:$0x1F830]  }
0x1e6: {  	[tilespmem:$0x1F810] =	vst v3;
	v3 =	vld.idx.msk [tilespmem:v4+s13+$0x0], $0xffff;
	_ =	sdelay $0x3  }
0x1e7: {  	[tilespmem:$0x1F840] =	vst v0;
	v0 =	vld [tilespmem:$0x1F850];
	v1 =	vor.u32 v1, v12  }
0x1e8: {  	[tilespmem:$0x1F860] =	vst v3;
	v3 =	vld.idx.msk [tilespmem:v4+s14+$0x0], $0xffff;
	_ =	sdelay $0x3  }
0x1e9: {  	v4 =	vld.idx.msk [tilespmem:v1+s13+$0x0], $0xffff  }
0x1ea: {  	v0 =	vor.u32 v0, v12;
	[tilespmem:$0x1F870] =	vst v3;
	v3 =	vld [tilespmem:$0x1F880];
	_ =	sdelay $0x1  }
0x1eb: {  	v1 =	vld.idx.msk [tilespmem:v1+s14+$0x0], $0xffff;
	_ =	sdelay $0x2  }
0x1ec: {  	[tilespmem:$0x1F890] =	vst v4;
	v4 =	vld.idx.msk [tilespmem:v0+s13+$0x0], $0xffff;
	v3 =	vor.u32 v3, v12;
	_ =	sdelay $0x1  }
0x1ed: {  	[tilespmem:$0x1F8A0] =	vst v1;
	v1 =	vld [tilespmem:$0x1F8B0];
	_ =	sdelay $0x2  }
0x1ee: {  	[tilespmem:$0x1F8C0] =	vst v4;
	v4 =	vld.idx.msk [tilespmem:v3+s13+$0x0], $0xffff  }
0x1ef: {  	v3 =	vld.idx.msk [tilespmem:v3+s14+$0x0], $0xffff  }
0x1f0: {  	v1 =	vor.u32 v1, v12;
	_ =	sdelay $0x2  }
0x1f1: {  	v0 =	vld.idx.msk [tilespmem:v0+s14+$0x0], $0xffff  }
0x1f2: {  	[tilespmem:$0x1F900] =	vst v3;
	v3 =	vld [tilespmem:$0x1F910]  }
0x1f3: {  	[tilespmem:$0x1F8F0] =	vst v4;
	v4 =	vld.idx.msk [tilespmem:v1+s13+$0x0], $0xffff  }
0x1f4: {  	v1 =	vld.idx.msk [tilespmem:v1+s14+$0x0], $0xffff;
	_ =	sdelay $0x3  }
0x1f5: {  	[tilespmem:$0x1F8D0] =	vst v0;
	v0 =	vld [tilespmem:$0x1F8E0];
	v3 =	vor.u32 v3, v12  }
0x1f6: {  	[tilespmem:$0x1F930] =	vst v1;
	v1 =	vld [tilespmem:$0x1F940];
	_ =	sdelay $0x3  }
0x1f7: {  	v0 =	vor.u32 v0, v12;
	[tilespmem:$0x1F920] =	vst v4;
	v4 =	vld.idx.msk [tilespmem:v3+s13+$0x0], $0xffff  }
0x1f8: {  	v1 =	vor.u32 v1, v12;
	v3 =	vld.idx.msk [tilespmem:v3+s14+$0x0], $0xffff;
	_ =	sdelay $0x3  }
0x1f9: {  	v47 =	vld.idx.msk [tilespmem:v0+s13+$0x0], $0xffff;
	[tilespmem:$0x1F960] =	vst v4  }
0x1fa: {  	[tilespmem:$0x1F970] =	vst v3;
	v3 =	vor.u32 v25, v12;
	v4 =	vld.idx.msk [tilespmem:v1+s13+$0x0], $0xffff  }
0x1fb: {  	v50 =	vld.idx.msk [tilespmem:v0+s14+$0x0], $0xffff  }
0x1fc: {  	v0 =	vld [tilespmem:$0x1F950];
	_ =	sdelay $0x2  }
0x1fd: {  	[tilespmem:$0x1F980] =	vst v4;
	v4 =	vld.idx.msk [tilespmem:v3+s13+$0x0], $0xffff  }
0x1fe: {  	v3 =	vld.idx.msk [tilespmem:v3+s14+$0x0], $0xffff  }
0x1ff: {  	v0 =	vor.u32 v0, v12;
	_ =	sdelay $0x3  }
0x200: {  	[tilespmem:$0x1F9D0] =	vst v3;
	v3 =	vld [tilespmem:$0x1F9E0]  }
0x201: {  	v53 =	vld.idx.msk [tilespmem:v0+s13+$0x0], $0xffff  }
0x202: {  	v52 =	vld.idx.msk [tilespmem:v0+s14+$0x0], $0xffff  }
0x203: {  	v0 =	vld [tilespmem:$0x1F9B0];
	_ =	sdelay $0x1  }
0x204: {  	v3 =	vor.u32 v3, v12;
	_ =	sdelay $0x2  }
0x205: {  	v0 =	vor.u32 v0, v12;
	_ =	sdelay $0x1  }
0x206: {  	[tilespmem:$0x1F9C0] =	vst v4;
	v4 =	vld.idx.msk [tilespmem:v3+s13+$0x0], $0xffff  }
0x207: {  	v3 =	vld.idx.msk [tilespmem:v3+s14+$0x0], $0xffff;
	_ =	sdelay $0x1  }
0x208: {  	v59 =	vld.idx.msk [tilespmem:v0+s13+$0x0], $0xffff  }
0x209: {  	v60 =	vld.idx.msk [tilespmem:v0+s14+$0x0], $0xffff  }
0x20a: {  	v0 =	vld [tilespmem:$0x1FA00]  }
0x20b: {  	[tilespmem:$0x1FA20] =	vst v3;
	v3 =	vld [tilespmem:$0x1FA30];
	_ =	sdelay $0x3  }
0x20c: {  	v0 =	vor.u32 v0, v12  }
0x20d: {  	[tilespmem:$0x1FA10] =	vst v4;
	v4 =	vor.u32 v3, v12;
	v3 =	vld [tilespmem:$0x1FA40];
	_ =	sdelay $0x3  }
0x20e: {  	v63 =	vld.idx.msk [tilespmem:v0+s13+$0x0], $0xffff  }
0x20f: {  	v5 =	vor.u32 v3, v12;
	v3 =	vld.idx.msk [tilespmem:v0+s14+$0x0], $0xffff  }
0x210: {  	v0 =	vld [tilespmem:$0x1FA50];
	_ =	sdelay $0x4  }
0x211: {  	v6 =	vor.u32 v0, v12;
	v0 =	vld.idx.msk [tilespmem:v4+s13+$0x0], $0xffff;
	_ =	sdelay $0x4  }
0x212: {  	[tilespmem:$0x1FA60] =	vst v0;
	v0 =	vld.idx.msk [tilespmem:v4+s14+$0x0], $0xffff;
	_ =	sdelay $0x4  }
0x213: {  	[tilespmem:$0x1FA70] =	vst v0;
	v0 =	vld [tilespmem:$0x1FA80];
	_ =	sdelay $0x4  }
0x214: {  	v4 =	vor.u32 v0, v12;
	_ =	sdelay $0x2  }
0x215: {  	v0 =	vld [tilespmem:$0x1FFA0];
	_ =	sdelay $0x1  }
0x216: {  	v8 =	vld.idx.msk [tilespmem:v4+s13+$0x0], $0xffff  }
0x217: {  	v4 =	vld.idx.msk [tilespmem:v4+s14+$0x0], $0xffff;
	_ =	sdelay $0x1  }
0x218: {  	v7 =	vor.u32 v0, v12;
	_ =	sdelay $0x2  }
0x219: {  	[tilespmem:$0x1FAA0] =	vst v4;
	v4 =	vor.u32 v40, v12  }
0x21a: {  	v18 =	vld [tilespmem:$0x1FFC0]  }
0x21b: {  	[tilespmem:$0x1FA90] =	vst v8;
	v8 =	vld.idx.msk [tilespmem:v7+s13+$0x0], $0xffff  }
0x21c: {  	v10 =	vld.idx.msk [tilespmem:v7+s14+$0x0], $0xffff  }
0x21d: {  	v7 =	vld [tilespmem:$0x1FEF0]  }
0x21e: {  	v9 =	vld.idx.msk [tilespmem:v4+s13+$0x0], $0xffff  }
0x21f: {  	v4 =	vld.idx.msk [tilespmem:v4+s14+$0x0], $0xffff  }
0x220: {  	v18 =	vor.u32 v18, v12;
	_ =	sdelay $0x1  }
0x221: {  	[tilespmem:$0x1F570] =	vst v34;
	v32 =	vshll.u32 v2, $0x3;
	v2 =	vld [tilespmem:$0x1FB50];
	v34 =	vor.u32 v45, v12  }
0x222: {  	v1 =	vld.idx.msk [tilespmem:v1+s14+$0x0], $0xffff  }
0x223: {  	v7 =	vor.u32 v7, v12;
	[tilespmem:$0x1FAC0] =	vst v4;
	v4 =	vld [tilespmem:$0x1FE10]  }
0x224: {  	v26 =	vld.idx.msk [tilespmem:v18+s14+$0x0], $0xffff  }
0x225: {  	v35 =	vld [tilespmem:s26+$0x0]  }
0x226: {  	v13 =	vmul.f32 v23, v13;
	v23 =	vld.idx.msk [tilespmem:v34+s13+$0x0], $0xffff  }
0x227: {  	[tilespmem:$0x1F990] =	vst v1;
	v1 =	vld [tilespmem:$0x1F9A0]  }
0x228: {  	[tilespmem:$0x1FAB0] =	vst v9;
	v16 =	vld.idx.msk [tilespmem:v7+s13+$0x0], $0xffff;
	v9 =	vor.u32 v4, v12  }
0x229: {  	v4 =	vld.idx.msk [tilespmem:v7+s14+$0x0], $0xffff  }
0x22a: {  	v7 =	vld [tilespmem:$0x1FFD0]  }
0x22b: {  	v62 =	vld.idx.msk [tilespmem:v5+s13+$0x0], $0xffff  }
0x22c: {  	v15 =	vld.idx.msk [tilespmem:v5+s14+$0x0], $0xffff  }
0x22d: {  	v19 =	vld.idx.msk [tilespmem:v9+s13+$0x0], $0xffff  }
0x22e: {  	v9 =	vld.idx.msk [tilespmem:v9+s14+$0x0], $0xffff  }
0x22f: {  	v5 =	vld.idx.msk [tilespmem:v6+s14+$0x0], $0xffff;
	v7 =	vor.u32 v7, v12  }
0x230: {  	v0 =	vld.idx.msk [tilespmem:v6+s13+$0x0], $0xffff  }
0x231: {  	v6 =	vld [tilespmem:$0x1FFB0]  }
0x232: {  	v25 =	vld.idx.msk [tilespmem:v18+s13+$0x0], $0xffff  }
0x233: {  	v1 =	vor.u32 v1, v12;
	[tilespmem:$0x1FAE0] =	vst v9;
	v9 =	vld [tilespmem:$0x1FBB0]  }
0x234: {  	v22 =	vld.idx.msk [tilespmem:v7+s13+$0x0], $0xffff  }
0x235: {  	v24 =	vld.idx.msk [tilespmem:v7+s14+$0x0], $0xffff  }
0x236: {  	v6 =	vor.u32 v6, v12;
	v7 =	vld [tilespmem:$0x1FB80]  }
0x237: {  	v18 =	vld [tilespmem:$0x1FB90]  }
0x238: {  	v56 =	vld.idx.msk [tilespmem:v1+s13+$0x0], $0xffff  }
0x239: {  	v58 =	vld.idx.msk [tilespmem:v1+s14+$0x0], $0xffff;
	v9 =	vor.u32 v9, v12  }
0x23a: {  	v1 =	vld [tilespmem:$0x1F9F0]  }
0x23b: {  	v11 =	vld.idx.msk [tilespmem:v6+s13+$0x0], $0xffff;
	v7 =	vor.u32 v7, v12  }
0x23c: {  	v14 =	vld.idx.msk [tilespmem:v6+s14+$0x0], $0xffff  }
0x23d: {  	v6 =	vld [tilespmem:$0x1FDE0]  }
0x23e: {  	v55 =	vld.idx.msk [tilespmem:v9+s13+$0x0], $0xffff  }
0x23f: {  	v57 =	vld.idx.msk [tilespmem:v9+s14+$0x0], $0xffff  }
0x240: {  	v18 =	vor.u32 v18, v12;
	v28 =	vld.idx.msk [tilespmem:v7+s13+$0x0], $0xffff  }
0x241: {  	[tilespmem:$0x1F530] =	vst v29;
	v29 =	vld.idx.msk [tilespmem:v7+s14+$0x0], $0xffff  }
0x242: {  	v7 =	vld [tilespmem:$0x1FFF0]  }
0x243: {  	v1 =	vor.u32 v1, v12;
	v9 =	vld [tilespmem:$0x1FBA0]  }
0x244: {  	[tilespmem:$0x1FB30] =	vst v42;
	v36 =	vor.u32 v33, v12;
	v33 =	vor.u32 v2, v12;
	v2 =	vor.u32 v42, v12;
	v42 =	vld [tilespmem:$0x1FB40]  }
0x245: {  	v30 =	vld.idx.msk [tilespmem:v18+s13+$0x0], $0xffff  }
0x246: {  	v31 =	vld.idx.msk [tilespmem:v18+s14+$0x0], $0xffff;
	v6 =	vor.u32 v6, v12  }
0x247: {  	[tilespmem:$0x1FAD0] =	vst v19;
	v19 =	vor.u32 v7, v12;
	v7 =	vld [tilespmem:$0x1FFE0]  }
0x248: {  	v61 =	vld.idx.msk [tilespmem:v1+s13+$0x0], $0xffff;
	v9 =	vor.u32 v9, v12  }
0x249: {  	s28 =	simm.s32 $0x210;
	v1 =	vld.idx.msk [tilespmem:v1+s14+$0x0], $0xffff  }
0x24a: {  	[tilespmem:$0x1FB00] =	vst v37;
	v40 =	vor.u32 v37, v12;
	v37 =	vld [tilespmem:s28+$0x0]  }
0x24b: {  	v17 =	vld.idx.msk [tilespmem:v6+s13+$0x0], $0xffff  }
0x24c: {  	[tilespmem:$0x1F4D0] =	vst v21;
	v6 =	vld.idx.msk [tilespmem:v6+s14+$0x0], $0xffff;
	v21 =	vor.u32 v7, v12  }
0x24d: {  	v7 =	vld.idx.msk [tilespmem:v9+s13+$0x0], $0xffff  }
0x24e: {  	v9 =	vld.idx.msk [tilespmem:v9+s14+$0x0], $0xffff  }
0x24f: {  	[tilespmem:$0x1F500] =	vst v20;
	v18 =	vld.idx.msk [tilespmem:v19+s13+$0x0], $0xffff  }
0x250: {  	[tilespmem:$0x1FB20] =	vst v41;
	v20 =	vld.idx.msk [tilespmem:v19+s14+$0x0], $0xffff  }
0x251: {  	[tilespmem:$0x1FB10] =	vst v38;
	v19 =	vld.idx.msk [tilespmem:v21+s13+$0x0], $0xffff  }
0x252: {  	s29 =	simm.s32 $0x20;
	v45 =	vor.u32 v38, v12;
	[tilespmem:$0x1FAF0] =	vst v13;
	v13 =	vor.u32 v41, v12;
	v41 =	vmov v39;
	v21 =	vld.idx.msk [tilespmem:v21+s14+$0x0], $0xffff  }
.LBB2_4:
0x253: {  	[tilespmem:$0x1F2F0] =	vst v45;
	v45 =	vmov v27;
	v27 =	vmul.f32 v42, v44;
	_ =	sdelay $0x1  }
0x254: {  	[tilespmem:$0x1F330] =	vst v27;
	v27 =	vld [tilespmem:$0x1F820];
	_ =	sdelay $0x3  }
0x255: {  	v49 =	vmul.f32 v49, v46  }
0x256: {  	v27 =	vmul.f32 v27, v54  }
0x257: {  	[tilespmem:$0x1F320] =	vst v49;
	v49 =	vld [tilespmem:$0x1F8A0]  }
0x258: {  	[tilespmem:$0x1F310] =	vst v27;
	v27 =	vld [tilespmem:$0x1F890];
	_ =	sdelay $0x4  }
0x259: {  	v54 =	vmul.f32 v48, v45;
	v48 =	vand.u32 $0x7, v35;
	v35 =	vmul.f32 v49, v27;
	v27 =	vld [tilespmem:$0x1F840];
	_ =	sdelay $0x4  }
0x25a: {  	v46 =	vld [tilespmem:$0x1FF50];
	v27 =	vmul.f32 v27, v51  }
0x25b: {  	v51 =	vld [tilespmem:$0x1F8C0]  }
0x25c: {  	[tilespmem:$0x1F300] =	vst v27;
	v27 =	vor.u32 v32, v48;
	v48 =	vld [tilespmem:$0x1F8D0];
	_ =	sdelay $0x1  }
0x25d: {  	v38 =	vld [tilespmem:$0x1FB60]  }
0x25e: {  	v39 =	vld [tilespmem:$0x1F780]  }
0x25f: {  	v49 =	vld [tilespmem:$0x1F920]  }
0x260: {  	v42 =	vor.u32 v46, v12;
	v46 =	vmul.f32 v48, v51;
	v51 =	vld [tilespmem:$0x1F930]  }
0x261: {  	v34 =	vld.idx.msk [tilespmem:v34+s14+$0x0], $0xffff  }
0x262: {  	v44 =	vld.idx.msk [tilespmem:v33+s13+$0x0], $0xffff;
	v37 =	vand.u32 $0x7, v37  }
0x263: {  	v33 =	vld.idx.msk [tilespmem:v33+s14+$0x0], $0xffff;
	v37 =	vor.u32 v32, v37  }
0x264: {  	v39 =	vmul.f32 v39, v41;
	v41 =	vld [tilespmem:$0x1FF90]  }
0x265: {  	v38 =	vor.u32 v38, v12;
	v45 =	vmul.f32 v51, v49;
	v49 =	vld [tilespmem:$0x1F980]  }
0x266: {  	v51 =	vld [tilespmem:$0x1F990]  }
0x267: {  	[tilespmem:$0x1F340] =	vst v39;
	v39 =	vld [tilespmem:$0x1F720]  }
0x268: {  	v37 =	vld.idx.msk [tilespmem:v37+s18+$0x0], $0xffff  }
0x269: {  	v48 =	vmul.f32 v50, v47;
	v47 =	vld [tilespmem:$0x1FF60]  }
0x26a: {  	v32 =	vld.idx.msk [tilespmem:v38+s13+$0x0], $0xffff  }
0x26b: {  	v49 =	vmul.f32 v51, v49;
	v51 =	vmul.f32 v60, v59;
	v60 =	vld [tilespmem:$0x1FF70]  }
0x26c: {  	v3 =	vmul.f32 v3, v63;
	v39 =	vmul.f32 v43, v39;
	v50 =	vld.idx.msk [tilespmem:v38+s14+$0x0], $0xffff  }
0x26d: {  	v15 =	vmul.f32 v15, v62;
	v38 =	vmul.f32 v52, v53;
	v53 =	vld [tilespmem:$0x1FF80]  }
0x26e: {  	v5 =	vmul.f32 v5, v0;
	[tilespmem:$0x1F350] =	vst v39;
	v39 =	vld.idx.msk [tilespmem:v36+s13+$0x0], $0xffff;
	v47 =	vor.u32 v47, v12  }
0x26f: {  	v8 =	vmul.f32 v10, v8;
	v10 =	vmul.f32 v14, v11;
	v36 =	vld.idx.msk [tilespmem:v36+s14+$0x0], $0xffff  }
0x270: {  	v18 =	vmul.f32 v20, v18;
	v43 =	vmul.f32 v58, v56;
	v52 =	vld.idx.msk [tilespmem:v42+s13+$0x0], $0xffff;
	v56 =	vor.u32 v60, v12  }
0x271: {  	v4 =	vmul.f32 v4, v16;
	v6 =	vmul.f32 v6, v17;
	v42 =	vld.idx.msk [tilespmem:v42+s14+$0x0], $0xffff  }
0x272: {  	v17 =	vmul.f32 v24, v22;
	v22 =	vmul.f32 v26, v25;
	v27 =	vld.idx.msk [tilespmem:v27+s16+$0x0], $0xffff;
	v53 =	vor.u32 v53, v12  }
0x273: {  	v25 =	vmul.f32 v29, v28;
	v26 =	vmul.f32 v31, v30;
	v11 =	vld.idx.msk [tilespmem:v47+s13+$0x0], $0xffff  }
0x274: {  	v30 =	vmul.f32 v33, v44;
	v41 =	vor.u32 v41, v12;
	v31 =	vmul.f32 v50, v32;
	v16 =	vld.idx.msk [tilespmem:v47+s14+$0x0], $0xffff  }
0x275: {  	v19 =	vmul.f32 v21, v19;
	v23 =	vmul.f32 v34, v23;
	v28 =	vld.idx.msk [tilespmem:v56+s13+$0x0], $0xffff  }
0x276: {  	v30 =	vadd.f32 $0.0e+00, v30;
	v58 =	vmul.f32 v1, v61;
	v31 =	vadd.f32 $0.0e+00, v31;
	v20 =	vld.idx.msk [tilespmem:v56+s14+$0x0], $0xffff  }
0x277: {  	v27 =	vadd.f32 v37, v27;
	v61 =	vmul.f32 v42, v52;
	v62 =	vld.idx.msk [tilespmem:v53+s14+$0x0], $0xffff;
	v60 =	vmul.f32 v36, v39  }
0x278: {  	v7 =	vmul.f32 v9, v7;
	v19 =	vadd.f32 v19, v30;
	v23 =	vadd.f32 v23, v31;
	v56 =	vld.idx.msk [tilespmem:v53+s13+$0x0], $0xffff  }
0x279: {  	v63 =	vld.idx.msk [tilespmem:v41+s13+$0x0], $0xffff;
	v36 =	vadd.f32 $0.0e+00, v61;
	v11 =	vmul.f32 v16, v11;
	v27 =	vadd.f32 v60, v27  }
0x27a: {  	v19 =	vadd.f32 v26, v19;
	v7 =	vadd.f32 v7, v23;
	v23 =	vmul.f32 v57, v55;
	v16 =	vld.idx.msk [tilespmem:v41+s14+$0x0], $0xffff  }
0x27b: {  	v0 =	vld [tilespmem:$0x1F570];
	v11 =	vadd.f32 v11, v36;
	v18 =	vadd.f32 v18, v27;
	v20 =	vmul.f32 v20, v28  }
0x27c: {  	v19 =	vadd.f32 v22, v19;
	v22 =	vld [tilespmem:$0x1FAD0];
	v7 =	vadd.f32 v23, v7  }
0x27d: {  	v23 =	vld [tilespmem:$0x1FAE0];
	v18 =	vadd.f32 v25, v18;
	v11 =	vadd.f32 v20, v11;
	v20 =	vmul.f32 v62, v56  }
0x27e: {  	v6 =	vadd.f32 v6, v19;
	v19 =	vld [tilespmem:$0x1FAC0]  }
0x27f: {  	v16 =	vmul.f32 v16, v63;
	v17 =	vadd.f32 v17, v18;
	v18 =	vld [tilespmem:$0x1FAB0];
	v11 =	vadd.f32 v20, v11  }
0x280: {  	v6 =	vadd.f32 v10, v6;
	v10 =	vld [tilespmem:$0x1FA90]  }
0x281: {  	v11 =	vadd.f32 v16, v11;
	v16 =	vld [tilespmem:$0x1FAA0]  }
0x282: {  	v14 =	vld [tilespmem:$0x1F530];
	v22 =	vmul.f32 v23, v22  }
0x283: {  	v21 =	vld [tilespmem:$0x1F480]  }
0x284: {  	v24 =	vld [tilespmem:$0x1F500];
	v7 =	vadd.f32 v22, v7;
	v18 =	vmul.f32 v19, v18  }
0x285: {  	v29 =	vld [tilespmem:$0x1F4D0]  }
0x286: {  	v1 =	vld [tilespmem:$0x1F560];
	v7 =	vadd.f32 v18, v7;
	v10 =	vmul.f32 v16, v10  }
0x287: {  	v59 =	vld [tilespmem:$0x1F490]  }
0x288: {  	v21 =	vor.u32 v21, v12;
	v5 =	vadd.f32 v5, v6;
	v6 =	vadd.f32 v10, v7;
	v7 =	vld [tilespmem:$0x1FA60]  }
0x289: {  	v10 =	vld [tilespmem:$0x1FA70];
	_ =	sdelay $0x1  }
0x28a: {  	v26 =	vld.idx.msk [tilespmem:v13+s13+$0x0], $0xffff  }
0x28b: {  	v0 =	vor.u32 v0, v12;
	v13 =	vld.idx.msk [tilespmem:v13+s14+$0x0], $0xffff  }
0x28c: {  	v14 =	vor.u32 v14, v12;
	v24 =	vor.u32 v24, v12;
	v29 =	vor.u32 v29, v12;
	v9 =	vld.idx.msk [tilespmem:v21+s13+$0x0], $0xffff  }
0x28d: {  	v21 =	vld.idx.msk [tilespmem:v21+s14+$0x0], $0xffff;
	v1 =	vor.u32 v1, v12;
	v12 =	vor.u32 v59, v12;
	v7 =	vmul.f32 v10, v7  }
0x28e: {  	v23 =	vld.idx.msk [tilespmem:v2+s13+$0x0], $0xffff  }
0x28f: {  	v3 =	vadd.f32 v3, v5;
	v5 =	vadd.f32 v7, v6;
	v6 =	vld [tilespmem:$0x1FA10]  }
0x290: {  	v7 =	vld [tilespmem:$0x1FA20]  }
0x291: {  	v2 =	vld.idx.msk [tilespmem:v2+s14+$0x0], $0xffff  }
0x292: {  	v9 =	vmul.f32 v21, v9;
	v4 =	vadd.f32 v4, v17;
	v19 =	vld.idx.msk [tilespmem:v12+s13+$0x0], $0xffff  }
0x293: {  	v12 =	vld.idx.msk [tilespmem:v12+s14+$0x0], $0xffff  }
0x294: {  	v4 =	vadd.f32 v8, v4;
	v8 =	vadd.f32 v9, v11;
	v11 =	vld.idx.msk [tilespmem:v29+s14+$0x0], $0xffff  }
0x295: {  	v9 =	vmul.f32 v13, v26;
	v13 =	vld [tilespmem:$0x1F9D0];
	v6 =	vmul.f32 v7, v6  }
0x296: {  	v16 =	vld.idx.msk [tilespmem:v29+s13+$0x0], $0xffff  }
0x297: {  	v2 =	vmul.f32 v2, v23;
	v8 =	vadd.f32 v9, v8;
	v5 =	vadd.f32 v6, v5;
	v6 =	vld [tilespmem:$0x1F9C0];
	_ =	sdelay $0x1  }
0x298: {  	v2 =	vadd.f32 v2, v8;
	v8 =	vmul.f32 v12, v19  }
0x299: {  	v9 =	vld.idx.msk [tilespmem:v24+s14+$0x0], $0xffff  }
0x29a: {  	v2 =	vadd.f32 v8, v2;
	v8 =	vmul.f32 v11, v16;
	v11 =	vld.idx.msk [tilespmem:v14+s14+$0x0], $0xffff  }
0x29b: {  	v6 =	vmul.f32 v13, v6;
	v13 =	vld.idx.msk [tilespmem:v14+s13+$0x0], $0xffff  }
0x29c: {  	v14 =	vld [tilespmem:$0x1F970]  }
0x29d: {  	v5 =	vadd.f32 v6, v5;
	v6 =	vld [tilespmem:$0x1F960]  }
0x29e: {  	v10 =	vld.idx.msk [tilespmem:v24+s13+$0x0], $0xffff;
	_ =	sdelay $0x3  }
0x29f: {  	v12 =	vld.idx.msk [tilespmem:v40+s14+$0x0], $0xffff;
	v6 =	vmul.f32 v14, v6  }
0x2a0: {  	v2 =	vadd.f32 v8, v2;
	v8 =	vmul.f32 v9, v10;
	v9 =	vld [tilespmem:$0x1F900]  }
0x2a1: {  	v5 =	vadd.f32 v6, v5;
	v6 =	vld [tilespmem:$0x1F8F0]  }
0x2a2: {  	v7 =	vld.idx.msk [tilespmem:v40+s13+$0x0], $0xffff;
	_ =	sdelay $0x3  }
0x2a3: {  	v3 =	vadd.f32 v51, v3;
	v6 =	vmul.f32 v9, v6  }
0x2a4: {  	v2 =	vadd.f32 v8, v2;
	v8 =	vld [tilespmem:$0x1F870];
	v7 =	vmul.f32 v12, v7  }
0x2a5: {  	v3 =	vadd.f32 v38, v3;
	v5 =	vadd.f32 v6, v5;
	v6 =	vld [tilespmem:$0x1F860]  }
0x2a6: {  	v2 =	vadd.f32 v7, v2;
	v7 =	vmul.f32 v11, v13;
	v11 =	vld [tilespmem:$0x1F300]  }
0x2a7: {  	v3 =	vadd.f32 v48, v3;
	_ =	sdelay $0x1  }
0x2a8: {  	v3 =	vadd.f32 v46, v3  }
0x2a9: {  	v6 =	vmul.f32 v8, v6  }
0x2aa: {  	v3 =	vadd.f32 v11, v3;
	v11 =	vld [tilespmem:$0x1F810]  }
0x2ab: {  	v5 =	vadd.f32 v6, v5;
	v6 =	vld [tilespmem:$0x1F7F0]  }
0x2ac: {  	v14 =	vld.idx.msk [tilespmem:v1+s13+$0x0], $0xffff  }
0x2ad: {  	v1 =	vld.idx.msk [tilespmem:v1+s14+$0x0], $0xffff;
	_ =	sdelay $0x2  }
0x2ae: {  	v6 =	vmul.f32 v11, v6  }
0x2af: {  	v2 =	vadd.f32 v7, v2;
	v7 =	vld [tilespmem:$0x1F7C0]  }
0x2b0: {  	v1 =	vmul.f32 v1, v14;
	v5 =	vadd.f32 v6, v5;
	v6 =	vld [tilespmem:$0x1F7A0];
	_ =	sdelay $0x1  }
0x2b1: {  	v4 =	vadd.f32 v15, v4;
	v1 =	vadd.f32 v1, v2;
	v2 =	vld [tilespmem:$0x1F330];
	_ =	sdelay $0x1  }
0x2b2: {  	v4 =	vadd.f32 v58, v4  }
0x2b3: {  	v3 =	vadd.f32 v54, v3;
	v6 =	vmul.f32 v7, v6  }
0x2b4: {  	v4 =	vadd.f32 v43, v4;
	v10 =	vld [tilespmem:$0x1F2F0]  }
0x2b5: {  	v2 =	vadd.f32 v2, v3;
	v3 =	vadd.f32 v6, v5;
	v5 =	vld [tilespmem:$0x1F740]  }
0x2b6: {  	v4 =	vadd.f32 v49, v4;
	v6 =	vld [tilespmem:$0x1F760]  }
0x2b7: {  	v11 =	vld [tilespmem:$0x1F310]  }
0x2b8: {  	v4 =	vadd.f32 v45, v4  }
0x2b9: {  	v7 =	vld [tilespmem:$0x1F320]  }
0x2ba: {  	v4 =	vadd.f32 v35, v4;
	v9 =	vld.idx.msk [tilespmem:v0+s13+$0x0], $0xffff  }
0x2bb: {  	v5 =	vmul.f32 v6, v5;
	v6 =	vld [tilespmem:$0x1F340]  }
0x2bc: {  	v0 =	vld.idx.msk [tilespmem:v0+s14+$0x0], $0xffff;
	v4 =	vadd.f32 v11, v4  }
0x2bd: {  	v8 =	vld.idx.msk [tilespmem:v10+s13+$0x0], $0xffff  }
0x2be: {  	v10 =	vld.idx.msk [tilespmem:v10+s14+$0x0], $0xffff;
	v4 =	vadd.f32 v7, v4  }
0x2bf: {  	v3 =	vadd.f32 v5, v3;
	v5 =	vld [tilespmem:$0x1FAF0]  }
0x2c0: {  	v4 =	vadd.f32 v6, v4;
	v6 =	vld [tilespmem:$0x1F350];
	_ =	sdelay $0x1  }
0x2c1: {  	v0 =	vmul.f32 v0, v9;
	_ =	sdelay $0x1  }
0x2c2: {  	v0 =	vadd.f32 v0, v1  }
0x2c3: {  	v1 =	vmul.f32 v10, v8;
	v4 =	vadd.f32 v5, v4;
	v2 =	vadd.f32 v6, v2;
	_ =	sdelay $0x1  }
0x2c4: {  	v0 =	vadd.f32 v1, v0;
	v1 =	vadd.f32 v2, v4;
	v2 =	vld [tilespmem:$0x1F6E0];
	_ =	sdelay $0x1  }
0x2c5: {  	v38 =	vlaneseq.u32  }
0x2c6: {  	v23 =	vor.u32 s29, v38  }
0x2c7: {  	v12 =	vshll.u32 v23, $0x6;
	v0 =	vadd.f32 v0, v3  }
0x2c8: {  	v2 =	vor.u32 v2, v12  }
0x2c9: {  	v0 =	vadd.f32 v0, v1;
	v1 =	vld [tilespmem:$0x1F6F0]  }
0x2ca: {  	s25 =	sadd.s32 $0x10, s25  }
0x2cb: {  	[tilespmem:s25+$0x0] =	vst v0;
	v0 =	vld [tilespmem:$0x1F700];
	_ =	sdelay $0x1  }
0x2cc: {  	v3 =	vld.idx.msk [tilespmem:v2+s13+$0x0], $0xffff  }
0x2cd: {  	v1 =	vor.u32 v1, v12;
	v2 =	vld.idx.msk [tilespmem:v2+s14+$0x0], $0xffff;
	_ =	sdelay $0x1  }
0x2ce: {  	v0 =	vor.u32 v0, v12;
	_ =	sdelay $0x2  }
0x2cf: {  	[tilespmem:$0x1F360] =	vst v2;
	v2 =	vld.idx.msk [tilespmem:v1+s13+$0x0], $0xffff  }
0x2d0: {  	v43 =	vld.idx.msk [tilespmem:v1+s14+$0x0], $0xffff  }
0x2d1: {  	v1 =	vld.idx.msk [tilespmem:v0+s13+$0x0], $0xffff  }
0x2d2: {  	[tilespmem:$0x1F370] =	vst v3;
	v3 =	vld [tilespmem:$0x1F710];
	_ =	sdelay $0x1  }
0x2d3: {  	[tilespmem:$0x1F720] =	vst v2;
	v2 =	vld [tilespmem:$0x1F730]  }
0x2d4: {  	v0 =	vld.idx.msk [tilespmem:v0+s14+$0x0], $0xffff  }
0x2d5: {  	[tilespmem:$0x1F740] =	vst v1;
	v1 =	vld [tilespmem:$0x1F750]  }
0x2d6: {  	v3 =	vor.u32 v3, v12;
	_ =	sdelay $0x1  }
0x2d7: {  	v2 =	vor.u32 v2, v12;
	_ =	sdelay $0x1  }
0x2d8: {  	[tilespmem:$0x1F760] =	vst v0;
	v0 =	vld [tilespmem:$0x1F770];
	v1 =	vor.u32 v1, v12  }
0x2d9: {  	v41 =	vld.idx.msk [tilespmem:v3+s13+$0x0], $0xffff  }
0x2da: {  	v3 =	vld.idx.msk [tilespmem:v3+s14+$0x0], $0xffff  }
0x2db: {  	v44 =	vld.idx.msk [tilespmem:v2+s13+$0x0], $0xffff  }
0x2dc: {  	v42 =	vld.idx.msk [tilespmem:v2+s14+$0x0], $0xffff  }
0x2dd: {  	v2 =	vld.idx.msk [tilespmem:v1+s13+$0x0], $0xffff;
	_ =	sdelay $0x2  }
0x2de: {  	[tilespmem:$0x1F780] =	vst v3;
	v3 =	vld [tilespmem:$0x1F790]  }
0x2df: {  	v0 =	vor.u32 v0, v12  }
0x2e0: {  	[tilespmem:$0x1F7A0] =	vst v2;
	v2 =	vld [tilespmem:$0x1F7B0];
	_ =	sdelay $0x1  }
0x2e1: {  	v1 =	vld.idx.msk [tilespmem:v1+s14+$0x0], $0xffff  }
0x2e2: {  	v3 =	vor.u32 v3, v12  }
0x2e3: {  	v46 =	vld.idx.msk [tilespmem:v0+s13+$0x0], $0xffff  }
0x2e4: {  	v49 =	vld.idx.msk [tilespmem:v0+s14+$0x0], $0xffff;
	v2 =	vor.u32 v2, v12  }
0x2e5: {  	v0 =	vld [tilespmem:$0x1F7E0]  }
0x2e6: {  	[tilespmem:$0x1F7C0] =	vst v1;
	v1 =	vld [tilespmem:$0x1F7D0]  }
0x2e7: {  	v27 =	vld.idx.msk [tilespmem:v3+s13+$0x0], $0xffff  }
0x2e8: {  	v48 =	vld.idx.msk [tilespmem:v3+s14+$0x0], $0xffff  }
0x2e9: {  	v3 =	vld.idx.msk [tilespmem:v2+s13+$0x0], $0xffff;
	_ =	sdelay $0x2  }
0x2ea: {  	v0 =	vor.u32 v0, v12;
	_ =	sdelay $0x1  }
0x2eb: {  	v1 =	vor.u32 v1, v12;
	[tilespmem:$0x1F7F0] =	vst v3;
	v3 =	vld [tilespmem:$0x1F800]  }
0x2ec: {  	v2 =	vld.idx.msk [tilespmem:v2+s14+$0x0], $0xffff;
	_ =	sdelay $0x1  }
0x2ed: {  	v51 =	vld.idx.msk [tilespmem:v0+s13+$0x0], $0xffff  }
0x2ee: {  	v0 =	vld.idx.msk [tilespmem:v0+s14+$0x0], $0xffff  }
0x2ef: {  	v54 =	vld.idx.msk [tilespmem:v1+s13+$0x0], $0xffff;
	v3 =	vor.u32 v3, v12  }
0x2f0: {  	[tilespmem:$0x1F810] =	vst v2;
	v2 =	vld [tilespmem:$0x1F830]  }
0x2f1: {  	v1 =	vld.idx.msk [tilespmem:v1+s14+$0x0], $0xffff;
	_ =	sdelay $0x2  }
0x2f2: {  	[tilespmem:$0x1F840] =	vst v0;
	v0 =	vld.idx.msk [tilespmem:v3+s13+$0x0], $0xffff  }
0x2f3: {  	v2 =	vor.u32 v2, v12;
	v3 =	vld.idx.msk [tilespmem:v3+s14+$0x0], $0xffff  }
0x2f4: {  	[tilespmem:$0x1F820] =	vst v1;
	v1 =	vld [tilespmem:$0x1F850];
	_ =	sdelay $0x3  }
0x2f5: {  	[tilespmem:$0x1F870] =	vst v3;
	v3 =	vld.idx.msk [tilespmem:v2+s13+$0x0], $0xffff  }
0x2f6: {  	v1 =	vor.u32 v1, v12;
	v2 =	vld.idx.msk [tilespmem:v2+s14+$0x0], $0xffff  }
0x2f7: {  	[tilespmem:$0x1F860] =	vst v0;
	v0 =	vld [tilespmem:$0x1F880];
	_ =	sdelay $0x3  }
0x2f8: {  	[tilespmem:$0x1F8A0] =	vst v2;
	v2 =	vld.idx.msk [tilespmem:v1+s13+$0x0], $0xffff  }
0x2f9: {  	v0 =	vor.u32 v0, v12;
	v1 =	vld.idx.msk [tilespmem:v1+s14+$0x0], $0xffff;
	_ =	sdelay $0x4  }
0x2fa: {  	[tilespmem:$0x1F8D0] =	vst v1;
	v1 =	vld.idx.msk [tilespmem:v0+s13+$0x0], $0xffff  }
0x2fb: {  	[tilespmem:$0x1F890] =	vst v3;
	v3 =	vld [tilespmem:$0x1F8B0];
	_ =	sdelay $0x1  }
0x2fc: {  	[tilespmem:$0x1F8C0] =	vst v2;
	v2 =	vld [tilespmem:$0x1F8E0];
	_ =	sdelay $0x1  }
0x2fd: {  	[tilespmem:$0x1F8F0] =	vst v1;
	v1 =	vld [tilespmem:$0x1F910]  }
0x2fe: {  	v3 =	vor.u32 v3, v12;
	v0 =	vld.idx.msk [tilespmem:v0+s14+$0x0], $0xffff;
	_ =	sdelay $0x1  }
0x2ff: {  	v2 =	vor.u32 v2, v12;
	_ =	sdelay $0x1  }
0x300: {  	v1 =	vor.u32 v1, v12  }
0x301: {  	[tilespmem:$0x1F900] =	vst v0;
	v0 =	vld.idx.msk [tilespmem:v3+s13+$0x0], $0xffff  }
0x302: {  	v3 =	vld.idx.msk [tilespmem:v3+s14+$0x0], $0xffff  }
0x303: {  	v47 =	vld.idx.msk [tilespmem:v2+s13+$0x0], $0xffff  }
0x304: {  	v50 =	vld.idx.msk [tilespmem:v2+s14+$0x0], $0xffff  }
0x305: {  	v2 =	vld.idx.msk [tilespmem:v1+s13+$0x0], $0xffff  }
0x306: {  	[tilespmem:$0x1F920] =	vst v0;
	v0 =	vld [tilespmem:$0x1F940];
	_ =	sdelay $0x1  }
0x307: {  	[tilespmem:$0x1F930] =	vst v3;
	v3 =	vld [tilespmem:$0x1F950];
	_ =	sdelay $0x1  }
0x308: {  	[tilespmem:$0x1F960] =	vst v2;
	v2 =	vld [tilespmem:$0x1F4C0]  }
0x309: {  	v0 =	vor.u32 v0, v12;
	v1 =	vld.idx.msk [tilespmem:v1+s14+$0x0], $0xffff;
	_ =	sdelay $0x1  }
0x30a: {  	v3 =	vor.u32 v3, v12;
	_ =	sdelay $0x1  }
0x30b: {  	v2 =	vor.u32 v2, v12  }
0x30c: {  	[tilespmem:$0x1F970] =	vst v1;
	v1 =	vld.idx.msk [tilespmem:v0+s13+$0x0], $0xffff  }
0x30d: {  	v0 =	vld.idx.msk [tilespmem:v0+s14+$0x0], $0xffff  }
0x30e: {  	v53 =	vld.idx.msk [tilespmem:v3+s13+$0x0], $0xffff  }
0x30f: {  	v52 =	vld.idx.msk [tilespmem:v3+s14+$0x0], $0xffff  }
0x310: {  	v3 =	vld.idx.msk [tilespmem:v2+s13+$0x0], $0xffff  }
0x311: {  	[tilespmem:$0x1F980] =	vst v1;
	v1 =	vld [tilespmem:$0x1F9A0];
	_ =	sdelay $0x1  }
0x312: {  	[tilespmem:$0x1F990] =	vst v0;
	v0 =	vld [tilespmem:$0x1F9B0];
	_ =	sdelay $0x1  }
0x313: {  	[tilespmem:$0x1F9C0] =	vst v3;
	v3 =	vld [tilespmem:$0x1F9E0]  }
0x314: {  	v1 =	vor.u32 v1, v12;
	_ =	sdelay $0x1  }
0x315: {  	v0 =	vor.u32 v0, v12;
	_ =	sdelay $0x1  }
0x316: {  	v2 =	vld.idx.msk [tilespmem:v2+s14+$0x0], $0xffff;
	v3 =	vor.u32 v3, v12  }
0x317: {  	v56 =	vld.idx.msk [tilespmem:v1+s13+$0x0], $0xffff  }
0x318: {  	v58 =	vld.idx.msk [tilespmem:v1+s14+$0x0], $0xffff  }
0x319: {  	v59 =	vld.idx.msk [tilespmem:v0+s13+$0x0], $0xffff  }
0x31a: {  	v60 =	vld.idx.msk [tilespmem:v0+s14+$0x0], $0xffff  }
0x31b: {  	v0 =	vld.idx.msk [tilespmem:v3+s13+$0x0], $0xffff  }
0x31c: {  	v1 =	vld [tilespmem:$0x1FA00];
	_ =	sdelay $0x2  }
0x31d: {  	[tilespmem:$0x1F9D0] =	vst v2;
	v2 =	vld [tilespmem:$0x1F9F0]  }
0x31e: {  	[tilespmem:$0x1FA10] =	vst v0;
	v0 =	vld [tilespmem:$0x1FA30]  }
0x31f: {  	v4 =	vor.u32 v1, v12;
	v1 =	vld.idx.msk [tilespmem:v3+s14+$0x0], $0xffff;
	_ =	sdelay $0x3  }
0x320: {  	v0 =	vor.u32 v0, v12  }
0x321: {  	v2 =	vor.u32 v2, v12;
	[tilespmem:$0x1FA20] =	vst v1;
	v1 =	vld [tilespmem:$0x1FA40];
	_ =	sdelay $0x1  }
0x322: {  	v63 =	vld.idx.msk [tilespmem:v4+s13+$0x0], $0xffff  }
0x323: {  	v3 =	vld.idx.msk [tilespmem:v4+s14+$0x0], $0xffff  }
0x324: {  	v4 =	vld.idx.msk [tilespmem:v0+s13+$0x0], $0xffff  }
0x325: {  	v61 =	vld.idx.msk [tilespmem:v2+s13+$0x0], $0xffff;
	v5 =	vor.u32 v1, v12  }
0x326: {  	v1 =	vld.idx.msk [tilespmem:v2+s14+$0x0], $0xffff  }
0x327: {  	v2 =	vld [tilespmem:$0x1FA50]  }
0x328: {  	v0 =	vld.idx.msk [tilespmem:v0+s14+$0x0], $0xffff  }
0x329: {  	[tilespmem:$0x1FA60] =	vst v4;
	v4 =	vld [tilespmem:$0x1FA80]  }
0x32a: {  	v62 =	vld.idx.msk [tilespmem:v5+s13+$0x0], $0xffff  }
0x32b: {  	v15 =	vld.idx.msk [tilespmem:v5+s14+$0x0], $0xffff  }
0x32c: {  	v2 =	vor.u32 v2, v12;
	v5 =	vld [tilespmem:$0x1FFB0]  }
0x32d: {  	[tilespmem:$0x1FA70] =	vst v0;
	v0 =	vld [tilespmem:$0x1FFA0]  }
0x32e: {  	v4 =	vor.u32 v4, v12;
	_ =	sdelay $0x2  }
0x32f: {  	v7 =	vor.u32 v5, v12;
	v5 =	vld.idx.msk [tilespmem:v2+s14+$0x0], $0xffff  }
0x330: {  	v6 =	vor.u32 v0, v12;
	v0 =	vld.idx.msk [tilespmem:v2+s13+$0x0], $0xffff  }
0x331: {  	v2 =	vld.idx.msk [tilespmem:v4+s13+$0x0], $0xffff;
	_ =	sdelay $0x4  }
0x332: {  	[tilespmem:$0x1FA90] =	vst v2;
	v2 =	vld [tilespmem:$0x1FF40];
	_ =	sdelay $0x4  }
0x333: {  	v2 =	vor.u32 v2, v12;
	_ =	sdelay $0x2  }
0x334: {  	v11 =	vld.idx.msk [tilespmem:v7+s13+$0x0], $0xffff  }
0x335: {  	v14 =	vld.idx.msk [tilespmem:v7+s14+$0x0], $0xffff  }
0x336: {  	v7 =	vld.idx.msk [tilespmem:v2+s13+$0x0], $0xffff  }
0x337: {  	v2 =	vld.idx.msk [tilespmem:v2+s14+$0x0], $0xffff;
	_ =	sdelay $0x4  }
0x338: {  	[tilespmem:$0x1FAC0] =	vst v2;
	v2 =	vld [tilespmem:$0x1FFD0];
	_ =	sdelay $0x3  }
0x339: {  	v9 =	vld [tilespmem:$0x1FFC0]  }
0x33a: {  	v2 =	vor.u32 v2, v12;
	_ =	sdelay $0x3  }
0x33b: {  	v9 =	vor.u32 v9, v12;
	[tilespmem:$0x1FAB0] =	vst v7;
	v7 =	vld [tilespmem:$0x1FE10]  }
0x33c: {  	v22 =	vld.idx.msk [tilespmem:v2+s13+$0x0], $0xffff  }
0x33d: {  	v24 =	vld.idx.msk [tilespmem:v2+s14+$0x0], $0xffff  }
0x33e: {  	v2 =	vld [tilespmem:$0x1FB90];
	_ =	sdelay $0x1  }
0x33f: {  	v25 =	vld.idx.msk [tilespmem:v9+s13+$0x0], $0xffff  }
0x340: {  	v26 =	vld.idx.msk [tilespmem:v9+s14+$0x0], $0xffff;
	v7 =	vor.u32 v7, v12  }
0x341: {  	s26 =	sadd.s32 $0x10, s26;
	v9 =	vld [tilespmem:$0x1FBA0]  }
0x342: {  	s28 =	sadd.s32 $0x10, s28;
	v35 =	vld [tilespmem:s26+$0x0];
	v2 =	vor.u32 v2, v12  }
0x343: {  	v37 =	vld [tilespmem:s28+$0x0]  }
0x344: {  	v4 =	vld.idx.msk [tilespmem:v4+s14+$0x0], $0xffff  }
0x345: {  	v13 =	vld.idx.msk [tilespmem:v7+s13+$0x0], $0xffff  }
0x346: {  	v8 =	vld.idx.msk [tilespmem:v6+s13+$0x0], $0xffff  }
0x347: {  	v30 =	vld.idx.msk [tilespmem:v2+s13+$0x0], $0xffff  }
0x348: {  	v31 =	vld.idx.msk [tilespmem:v2+s14+$0x0], $0xffff  }
0x349: {  	v2 =	vld [tilespmem:$0x1FB70]  }
0x34a: {  	[tilespmem:$0x1FAD0] =	vst v13;
	v13 =	vld [tilespmem:$0x1FBB0]  }
0x34b: {  	v7 =	vld.idx.msk [tilespmem:v7+s14+$0x0], $0xffff  }
0x34c: {  	v10 =	vld.idx.msk [tilespmem:v6+s14+$0x0], $0xffff  }
0x34d: {  	v6 =	vld [tilespmem:$0x1FDE0]  }
0x34e: {  	v34 =	vor.u32 v2, v12;
	v2 =	vld [tilespmem:$0x1FB50]  }
0x34f: {  	v36 =	vor.u32 v38, v12;
	v38 =	vld [tilespmem:$0x1F360];
	v13 =	vor.u32 v13, v12  }
0x350: {  	[tilespmem:$0x1FAE0] =	vst v7;
	v7 =	vld [tilespmem:$0x1FB80]  }
0x351: {  	v39 =	vld [tilespmem:$0x1F370]  }
0x352: {  	[tilespmem:$0x1FAA0] =	vst v4;
	v4 =	vld [tilespmem:$0x1FEF0];
	v6 =	vor.u32 v6, v12  }
0x353: {  	v33 =	vor.u32 v2, v12;
	v2 =	vld [tilespmem:$0x1FB00]  }
0x354: {  	v55 =	vld.idx.msk [tilespmem:v13+s13+$0x0], $0xffff  }
0x355: {  	v7 =	vor.u32 v7, v12;
	v57 =	vld.idx.msk [tilespmem:v13+s14+$0x0], $0xffff  }
0x356: {  	v13 =	vld [tilespmem:$0x1FFF0]  }
0x357: {  	v17 =	vld.idx.msk [tilespmem:v6+s13+$0x0], $0xffff  }
0x358: {  	v40 =	vor.u32 v2, v12;
	v2 =	vld [tilespmem:$0x1FB10]  }
0x359: {  	v4 =	vor.u32 v4, v12;
	v6 =	vld.idx.msk [tilespmem:v6+s14+$0x0], $0xffff  }
0x35a: {  	v28 =	vld.idx.msk [tilespmem:v7+s13+$0x0], $0xffff  }
0x35b: {  	v29 =	vld.idx.msk [tilespmem:v7+s14+$0x0], $0xffff;
	v13 =	vor.u32 v13, v12  }
0x35c: {  	v7 =	vld [tilespmem:$0x1FFE0]  }
0x35d: {  	v45 =	vor.u32 v2, v12;
	v2 =	vld [tilespmem:$0x1FB20]  }
0x35e: {  	v9 =	vor.u32 v9, v12;
	v16 =	vld.idx.msk [tilespmem:v4+s13+$0x0], $0xffff  }
0x35f: {  	v4 =	vld.idx.msk [tilespmem:v4+s14+$0x0], $0xffff  }
0x360: {  	v18 =	vld.idx.msk [tilespmem:v13+s13+$0x0], $0xffff  }
0x361: {  	v21 =	vor.u32 v7, v12;
	v20 =	vld.idx.msk [tilespmem:v13+s14+$0x0], $0xffff  }
0x362: {  	p0 =	sne.s32 s29, $0x1F0;
	v13 =	vor.u32 v2, v12;
	v2 =	vld [tilespmem:$0x1FB30]  }
.Ltmp1:
0x363: {  	v7 =	vld.idx.msk [tilespmem:v9+s13+$0x0], $0xffff;
	(pc) =	sbr.rel @p0 .LBB2_4-.Ltmp1, $4  }
0x364: {  	v9 =	vld.idx.msk [tilespmem:v9+s14+$0x0], $0xffff  }
0x365: {  	v32 =	vshll.u32 v23, $0x3;
	v38 =	vmul.f32 v38, v39;
	v23 =	vld.idx.msk [tilespmem:v34+s13+$0x0], $0xffff  }
0x366: {  	v19 =	vld.idx.msk [tilespmem:v21+s13+$0x0], $0xffff  }
0x367: {  	s29 =	sadd.s32 $0x10, s29;
	[tilespmem:$0x1FAF0] =	vst v38;
	v21 =	vld.idx.msk [tilespmem:v21+s14+$0x0], $0xffff;
	v2 =	vor.u32 v2, v12  }
0x368: {  	v38 =	vld [tilespmem:$0x1F780]  }
0x369: {  	v46 =	vmul.f32 v49, v46;
	v49 =	vmul.f32 v42, v44;
	v42 =	vld [tilespmem:$0x1F8A0]  }
0x36a: {  	v44 =	vld [tilespmem:$0x1F8C0]  }
0x36b: {  	v39 =	vld [tilespmem:$0x1F8D0]  }
0x36c: {  	v27 =	vmul.f32 v48, v27;
	v34 =	vld.idx.msk [tilespmem:v34+s14+$0x0], $0xffff  }
0x36d: {  	v48 =	vld [tilespmem:$0x1F920];
	v0 =	vmul.f32 v5, v0;
	v5 =	vmul.f32 v10, v8  }
0x36e: {  	v10 =	vld [tilespmem:$0x1FF60];
	v4 =	vmul.f32 v4, v16;
	v16 =	vmul.f32 v24, v22  }
0x36f: {  	v35 =	vand.u32 $0x7, v35;
	v24 =	vmul.f32 v26, v25;
	v38 =	vmul.f32 v38, v41;
	v41 =	vld [tilespmem:$0x1F720]  }
0x370: {  	v37 =	vand.u32 $0x7, v37;
	v25 =	vmul.f32 v29, v28;
	v28 =	vmul.f32 v31, v30;
	v31 =	vld [tilespmem:$0x1F570]  }
0x371: {  	v1 =	vmul.f32 v1, v61;
	v35 =	vor.u32 v32, v35;
	v61 =	vor.u32 v32, v37;
	v32 =	vld [tilespmem:$0x1FAA0]  }
0x372: {  	[tilespmem:$0x1F2A0] =	vst v27;
	v27 =	vld [tilespmem:$0x1F890]  }
0x373: {  	[tilespmem:$0x1F2B0] =	vst v46;
	v46 =	vld [tilespmem:$0x1FB60]  }
0x374: {  	[tilespmem:$0x1F2D0] =	vst v38;
	v38 =	vmul.f32 v43, v41;
	v41 =	vld [tilespmem:$0x1F820]  }
0x375: {  	[tilespmem:$0x1F2C0] =	vst v49;
	v49 =	vld [tilespmem:$0x1F930]  }
0x376: {  	v43 =	vld [tilespmem:$0x1F840]  }
0x377: {  	v26 =	vld.idx.msk [tilespmem:v35+s16+$0x0], $0xffff  }
0x378: {  	v18 =	vmul.f32 v20, v18;
	v20 =	vld.idx.msk [tilespmem:v61+s18+$0x0], $0xffff  }
0x379: {  	[tilespmem:$0x1F2E0] =	vst v38;
	v38 =	vmul.f32 v41, v54;
	v54 =	vld [tilespmem:$0x1FF50]  }
0x37a: {  	v41 =	vor.u32 v46, v12;
	v46 =	vmul.f32 v52, v53;
	v53 =	vld [tilespmem:$0x1FF90]  }
0x37b: {  	[tilespmem:$0x1F290] =	vst v38;
	v38 =	vmul.f32 v43, v51;
	v43 =	vmul.f32 v39, v44;
	v44 =	vld.idx.msk [tilespmem:v36+s13+$0x0], $0xffff  }
0x37c: {  	v39 =	vmul.f32 v50, v47;
	v50 =	vld [tilespmem:$0x1F980]  }
0x37d: {  	v51 =	vld [tilespmem:$0x1F990]  }
0x37e: {  	v36 =	vld.idx.msk [tilespmem:v36+s14+$0x0], $0xffff  }
0x37f: {  	[tilespmem:$0x1F280] =	vst v38;
	v38 =	vmul.f32 v49, v48;
	v49 =	vmul.f32 v60, v59;
	v59 =	vld.idx.msk [tilespmem:v33+s13+$0x0], $0xffff  }
0x380: {  	v60 =	vld.idx.msk [tilespmem:v33+s14+$0x0], $0xffff  }
0x381: {  	v48 =	vmul.f32 v58, v56;
	v58 =	vld [tilespmem:$0x1F560]  }
0x382: {  	v15 =	vmul.f32 v15, v62;
	v62 =	vld.idx.msk [tilespmem:v41+s13+$0x0], $0xffff  }
0x383: {  	v3 =	vmul.f32 v3, v63;
	v47 =	vor.u32 v54, v12;
	v63 =	vld.idx.msk [tilespmem:v41+s14+$0x0], $0xffff  }
0x384: {  	v27 =	vmul.f32 v42, v27;
	v42 =	vmul.f32 v51, v50;
	v51 =	vld [tilespmem:$0x1FF80]  }
0x385: {  	v19 =	vmul.f32 v21, v19;
	v21 =	vmul.f32 v60, v59;
	v59 =	vld [tilespmem:$0x1F530]  }
0x386: {  	v41 =	vor.u32 v10, v12;
	v60 =	vld [tilespmem:$0x1F500]  }
0x387: {  	v33 =	vor.u32 v58, v12;
	v58 =	vld [tilespmem:$0x1FAD0]  }
0x388: {  	v11 =	vmul.f32 v14, v11;
	v14 =	vld.idx.msk [tilespmem:v47+s13+$0x0], $0xffff  }
0x389: {  	v6 =	vmul.f32 v6, v17;
	v17 =	vld.idx.msk [tilespmem:v47+s14+$0x0], $0xffff  }
0x38a: {  	v54 =	vor.u32 v53, v12;
	v47 =	vld [tilespmem:$0x1FF70]  }
0x38b: {  	v30 =	vld.idx.msk [tilespmem:v41+s13+$0x0], $0xffff  }
0x38c: {  	v10 =	vld.idx.msk [tilespmem:v41+s14+$0x0], $0xffff  }
0x38d: {  	v20 =	vadd.f32 v20, v26;
	v26 =	vmul.f32 v36, v44;
	v8 =	vmul.f32 v63, v62;
	v62 =	vld [tilespmem:$0x1F4D0]  }
0x38e: {  	v63 =	vld [tilespmem:$0x1F480]  }
0x38f: {  	v20 =	vadd.f32 v26, v20;
	v26 =	vld.idx.msk [tilespmem:v54+s13+$0x0], $0xffff  }
0x390: {  	v53 =	vld.idx.msk [tilespmem:v54+s14+$0x0], $0xffff;
	v21 =	vadd.f32 $0.0e+00, v21  }
0x391: {  	v29 =	vor.u32 v51, v12;
	v51 =	vld [tilespmem:$0x1F490]  }
0x392: {  	v23 =	vmul.f32 v34, v23;
	v19 =	vadd.f32 v19, v21;
	v21 =	vld [tilespmem:$0x1F970]  }
0x393: {  	v18 =	vadd.f32 v18, v20;
	v8 =	vadd.f32 $0.0e+00, v8;
	v35 =	vor.u32 v59, v12;
	v59 =	vld [tilespmem:$0x1FAE0]  }
0x394: {  	v37 =	vor.u32 v60, v12;
	v60 =	vld.idx.msk [tilespmem:v13+s14+$0x0], $0xffff  }
0x395: {  	v18 =	vadd.f32 v25, v18;
	v8 =	vadd.f32 v23, v8;
	v23 =	vld [tilespmem:$0x1FA90]  }
0x396: {  	v22 =	vor.u32 v47, v12;
	v47 =	vor.u32 v62, v12;
	v62 =	vld [tilespmem:$0x1FAB0]  }
0x397: {  	v16 =	vadd.f32 v16, v18;
	v18 =	vld [tilespmem:$0x1FAC0]  }
0x398: {  	v50 =	vor.u32 v63, v12;
	v63 =	vld.idx.msk [tilespmem:v2+s14+$0x0], $0xffff  }
0x399: {  	v14 =	vmul.f32 v17, v14;
	v17 =	vld.idx.msk [tilespmem:v29+s13+$0x0], $0xffff  }
0x39a: {  	v7 =	vmul.f32 v9, v7;
	v29 =	vld.idx.msk [tilespmem:v29+s14+$0x0], $0xffff  }
0x39b: {  	v10 =	vmul.f32 v10, v30;
	v52 =	vor.u32 v51, v12;
	v14 =	vadd.f32 $0.0e+00, v14;
	v51 =	vld [tilespmem:$0x1FA60]  }
0x39c: {  	v7 =	vadd.f32 v7, v8;
	v8 =	vmul.f32 v59, v58;
	v58 =	vld.idx.msk [tilespmem:v37+s14+$0x0], $0xffff  }
0x39d: {  	v10 =	vadd.f32 v10, v14;
	v14 =	vld [tilespmem:$0x1F960]  }
0x39e: {  	v61 =	vld.idx.msk [tilespmem:v22+s13+$0x0], $0xffff  }
0x39f: {  	v22 =	vld.idx.msk [tilespmem:v22+s14+$0x0], $0xffff  }
0x3a0: {  	v20 =	vld.idx.msk [tilespmem:v50+s13+$0x0], $0xffff  }
0x3a1: {  	v55 =	vmul.f32 v57, v55;
	v56 =	vld.idx.msk [tilespmem:v50+s14+$0x0], $0xffff  }
0x3a2: {  	v44 =	vld.idx.msk [tilespmem:v47+s13+$0x0], $0xffff  }
0x3a3: {  	v9 =	vmul.f32 v53, v26;
	v7 =	vadd.f32 v55, v7;
	v53 =	vld.idx.msk [tilespmem:v47+s14+$0x0], $0xffff  }
0x3a4: {  	v47 =	vld [tilespmem:$0x1F810]  }
0x3a5: {  	v7 =	vadd.f32 v8, v7;
	v8 =	vmul.f32 v18, v62;
	v62 =	vld [tilespmem:$0x1F9D0]  }
0x3a6: {  	v57 =	vmul.f32 v29, v17;
	v17 =	vld.idx.msk [tilespmem:v13+s13+$0x0], $0xffff  }
0x3a7: {  	v4 =	vadd.f32 v4, v16;
	v16 =	vld.idx.msk [tilespmem:v52+s13+$0x0], $0xffff  }
0x3a8: {  	v19 =	vadd.f32 v28, v19;
	v34 =	vld.idx.msk [tilespmem:v52+s14+$0x0], $0xffff  }
0x3a9: {  	v4 =	vadd.f32 v5, v4;
	v52 =	vld [tilespmem:$0x1FA70]  }
0x3aa: {  	v19 =	vadd.f32 v24, v19;
	v13 =	vld.idx.msk [tilespmem:v35+s13+$0x0], $0xffff  }
0x3ab: {  	v4 =	vadd.f32 v15, v4;
	v7 =	vadd.f32 v8, v7;
	v8 =	vmul.f32 v32, v23;
	v32 =	vld.idx.msk [tilespmem:v33+s13+$0x0], $0xffff  }
0x3ac: {  	v6 =	vadd.f32 v6, v19;
	v54 =	vmul.f32 v22, v61;
	v61 =	vld.idx.msk [tilespmem:v2+s13+$0x0], $0xffff  }
0x3ad: {  	v1 =	vadd.f32 v1, v4;
	v22 =	vmul.f32 v56, v20;
	v56 =	vld [tilespmem:$0x1FA10]  }
0x3ae: {  	v31 =	vor.u32 v31, v12;
	v6 =	vadd.f32 v11, v6;
	v12 =	vmul.f32 v53, v44;
	v44 =	vld [tilespmem:$0x1F280]  }
0x3af: {  	v1 =	vadd.f32 v48, v1;
	v48 =	vld.idx.msk [tilespmem:v45+s14+$0x0], $0xffff  }
0x3b0: {  	v0 =	vadd.f32 v0, v6;
	v53 =	vld [tilespmem:$0x1F7C0]  }
0x3b1: {  	v10 =	vadd.f32 v54, v10;
	v54 =	vld.idx.msk [tilespmem:v37+s13+$0x0], $0xffff  }
0x3b2: {  	v0 =	vadd.f32 v3, v0;
	v41 =	vmul.f32 v60, v17;
	v60 =	vld.idx.msk [tilespmem:v40+s13+$0x0], $0xffff  }
0x3b3: {  	v59 =	vmul.f32 v34, v16;
	v34 =	vld [tilespmem:$0x1F8F0]  }
0x3b4: {  	v0 =	vadd.f32 v49, v0;
	v49 =	vld [tilespmem:$0x1F290]  }
0x3b5: {  	v50 =	vadd.f32 v8, v7;
	v7 =	vmul.f32 v52, v51;
	v51 =	vld [tilespmem:$0x1F2A0]  }
0x3b6: {  	v1 =	vadd.f32 v42, v1;
	v52 =	vld [tilespmem:$0x1F7A0]  }
0x3b7: {  	v10 =	vadd.f32 v57, v10;
	v57 =	vld [tilespmem:$0x1FA20]  }
0x3b8: {  	v1 =	vadd.f32 v38, v1;
	v38 =	vld.idx.msk [tilespmem:v31+s13+$0x0], $0xffff  }
0x3b9: {  	v0 =	vadd.f32 v46, v0;
	v46 =	vld [tilespmem:$0x1F7F0];
	v9 =	vadd.f32 v9, v10  }
0x3ba: {  	v2 =	vmul.f32 v63, v61;
	v61 =	vld [tilespmem:$0x1F9C0]  }
0x3bb: {  	v63 =	vld.idx.msk [tilespmem:v40+s14+$0x0], $0xffff;
	v36 =	vadd.f32 v22, v9  }
0x3bc: {  	v40 =	vld [tilespmem:$0x1F870]  }
0x3bd: {  	v0 =	vadd.f32 v39, v0;
	v39 =	vld [tilespmem:$0x1F860];
	v5 =	vadd.f32 v41, v36  }
0x3be: {  	v23 =	vmul.f32 v58, v54;
	v54 =	vld [tilespmem:$0x1F2B0]  }
0x3bf: {  	v55 =	vadd.f32 v7, v50;
	v22 =	vld.idx.msk [tilespmem:v35+s14+$0x0], $0xffff;
	v6 =	vmul.f32 v57, v56;
	v2 =	vadd.f32 v2, v5  }
0x3c0: {  	v35 =	vld [tilespmem:$0x1F900]  }
0x3c1: {  	v58 =	vld [tilespmem:$0x1F760];
	v3 =	vadd.f32 v6, v55;
	v6 =	vmul.f32 v62, v61;
	v2 =	vadd.f32 v59, v2  }
0x3c2: {  	v0 =	vadd.f32 v43, v0;
	v43 =	vld.idx.msk [tilespmem:v45+s13+$0x0], $0xffff  }
0x3c3: {  	v36 =	vld.idx.msk [tilespmem:v33+s14+$0x0], $0xffff;
	v3 =	vadd.f32 v6, v3;
	v6 =	vmul.f32 v21, v14;
	v2 =	vadd.f32 v12, v2  }
0x3c4: {  	v56 =	vld [tilespmem:$0x1F2C0];
	v37 =	vmul.f32 v63, v60  }
0x3c5: {  	v41 =	vld.idx.msk [tilespmem:v31+s14+$0x0], $0xffff;
	v3 =	vadd.f32 v6, v3;
	v6 =	vmul.f32 v35, v34;
	v2 =	vadd.f32 v23, v2  }
0x3c6: {  	v1 =	vadd.f32 v27, v1;
	v57 =	vld [tilespmem:$0x1F740];
	v42 =	vmul.f32 v22, v13  }
0x3c7: {  	v59 =	vld [tilespmem:$0x1F2D0];
	v3 =	vadd.f32 v6, v3;
	v6 =	vmul.f32 v40, v39;
	v2 =	vadd.f32 v37, v2  }
0x3c8: {  	v1 =	vadd.f32 v49, v1;
	v0 =	vadd.f32 v44, v0;
	v61 =	vld [tilespmem:$0x1F2E0];
	v50 =	vmul.f32 v36, v32  }
0x3c9: {  	v62 =	vld [tilespmem:$0x1FAF0];
	v3 =	vadd.f32 v6, v3;
	v6 =	vmul.f32 v47, v46;
	v2 =	vadd.f32 v42, v2  }
0x3ca: {  	v0 =	vadd.f32 v51, v0;
	v1 =	vadd.f32 v54, v1;
	v55 =	vmul.f32 v41, v38  }
0x3cb: {  	v3 =	vadd.f32 v6, v3;
	v6 =	vmul.f32 v53, v52;
	v2 =	vadd.f32 v50, v2  }
0x3cc: {  	v60 =	vmul.f32 v48, v43;
	v0 =	vadd.f32 v56, v0;
	v1 =	vadd.f32 v59, v1  }
0x3cd: {  	v5 =	vmul.f32 v58, v57;
	v3 =	vadd.f32 v6, v3;
	v2 =	vadd.f32 v55, v2  }
0x3ce: {  	v0 =	vadd.f32 v61, v0;
	v1 =	vadd.f32 v62, v1  }
0x3cf: {  	v3 =	vadd.f32 v5, v3;
	v2 =	vadd.f32 v60, v2;
	_ =	sdelay $0x1  }
0x3d0: {  	v0 =	vadd.f32 v0, v1;
	v63 =	vadd.f32 v2, v3;
	_ =	sdelay $0x1  }
0x3d1: {  	v0 =	vadd.f32 v63, v0  }
0x3d2: {  	s25 =	sadd.s32 $0x10, s25  }
0x3d3: {  	[tilespmem:s25+$0x0] =	vst v0  }
0x3d4: {  	[hbm4b:s9+s0] =	stream.linear.scatter [tilespmem:s23], [sflag:$0x5], $0x200, $0x38;
	[tilespmem:$0x12A00] =	vst v63  }
0x3d5: {  	s24 =	sadd.s32 $0x1, s24;
	_ =	swait.ge [sflag:s11], $0x200  }
0x3d6: {  	p0 =	sne.s32 s24, s10;
	v33 =	vld [tilespmem:$0x1FFF0]  }
.Ltmp2:
0x3d7: {  	v31 =	vld [tilespmem:$0x1FFE0];
	(pc) =	sbr.rel @p0 .LBB2_1-.Ltmp2, $4  }
0x3d8: {  	v16 =	vld [tilespmem:$0x1FFD0]  }
0x3d9: {  	v32 =	vld [tilespmem:$0x1FFC0]  }
0x3da: {  	[sflag:s11] =	ssyncset.done $0x0;
	v24 =	vld [tilespmem:$0x1FFA0]  }
0x3db: {  	v19 =	vlaneseq.u32;
	v29 =	vld [tilespmem:$0x1FFB0];
	[sflag:s11] =	ssyncadd.s32 $0xFFFFFE00  }
0x3dc: {  	_ =	sfence.sel $0x180000  }
0x3dd: {  	[bflag:$0x0] =	sbarrier.arrive $0xFFFF  }
0x3de: {  	p0 =	sne.s32 s4, $0x0;
	_ =	strace $0x90000047  }
0x3df: {  	s0 =	sadd.s32 @!p0 $0x100000, s1;
	[bflag:$0x2] =	sbarrier.arrive $0xFFFF  }
0x3e0: {  	[sflag:s0] =	ssyncadd.tile.s32 @!p0 $0x1;
	_ =	shalt  }
.Lfunc_end2:
_tile_overlayer_lowered:
.L_overlay_start_2:
0x3e1: {  	(tag) =	ssettag $0x2  }
0x3e2: {  	s0 =	rddreg [dreg:$0x0];
	s2 =	stileid.u32  }
0x3e3: {  	s1 =	rddreg [dreg:$0x1];
	p0 =	sne.s32 s2, $0x0  }
0x3e4: {  	s3 =	rddreg [dreg:$0x2];
	[bflag:$0x3] =	sbarrier.arrive $0xFFFF;
	s2 =	simm.s32 @!p0 $0x1C05  }
0x3e5: {  	[timem:s3], [sflag:s2] =	dma.local @!p0 [hbm:s0], s1  }
0x3e6: {  	s0 =	simm.s32 @!p0 $0x5  }
0x3e7: {  	_ =	swait.ge @!p0 [sflag:s0], s1  }
0x3e8: {  	s1 =	ssub.s32 @!p0 $0x0, s1;
	[sflag:s0] =	ssyncset.done @!p0 $0x0  }
0x3e9: {  	[sflag:s0] =	ssyncadd.s32 @!p0 s1  }
0x3ea: {  	[bflag:$0x3] =	sbarrier.arrive $0xFFFF  }
0x3eb: {  	_ =	shalt  }

</sc_bundles>
